<compile_context>
chip_gen: v7x
topology: tpu7x:2x2x1
jax: 0.10.2.dev20260603
libtpu: 0.0.44.dev20260713+nightly
codegen_flags: <defaults>
</compile_context>

<pallas_src>
import functools

import jax
import jax.numpy as jnp
from jax import lax
from jax.experimental import pallas as pl
from jax.experimental.pallas import tpu as pltpu
from jax.experimental.pallas import tpu_sc as plsc

B, F, L, V, D = 4096, 26, 20, 100000, 32
NC, NS = 2, 16
NW = NC * NS
UNITS = F * D
UNITS_W = UNITS // NW
BB = 512
NBLK = B // BB
NGRP = BB // 16
VMAIN = (V // 128) * 128
VTAIL = V - VMAIN


def _sc_pooled_lookup_t(tbl_hbm, tail_hbm, idx_hbm, out_hbm,
                        slice_v, idxv0, idxv1, outv,
                        sem_s, sem_i0, sem_i1, sem_o):
    wid = lax.axis_index("s") * NC + lax.axis_index("c")
    idxv = (idxv0, idxv1)
    sem_i = (sem_i0, sem_i1)

    def idx_copy(f, blk, ib):
        return pltpu.make_async_copy(
            idx_hbm.at[f, :, pl.ds(blk * BB, BB)], idxv[ib], sem_i[ib])

    def out_copy(u):
        return pltpu.make_async_copy(outv, out_hbm.at[u], sem_o)

    _SPLITS = (0, 196 * 128, 391 * 128, 586 * 128, VMAIN)

    def slice_copies(f, d, u):
        cps = [
            pltpu.make_async_copy(
                tbl_hbm.at[f, d, pl.ds(lo, hi - lo)],
                slice_v.at[pl.ds(lo, hi - lo)], sem_s)
            for lo, hi in zip(_SPLITS[:-1], _SPLITS[1:])
        ]
        cps.append(pltpu.make_async_copy(tail_hbm.at[u],
                                         slice_v.at[pl.ds(VMAIN, 128)],
                                         sem_s))
        return cps

    def process_blocks(f, next_f):
        def blk_pair(bb_i, carry):
            for ib in range(2):
                blk = 2 * bb_i + ib
                if ib == 0:
                    idx_copy(f, blk + 1, 1).start()
                else:
                    @pl.when(bb_i < NBLK // 2 - 1)
                    def _start_next():
                        idx_copy(f, blk + 1, 0).start()

                    @pl.when(bb_i == NBLK // 2 - 1)
                    def _prefetch_next_unit():
                        idx_copy(next_f, 0, 0).start()
                idx_copy(f, blk, ib).wait()
                ivb = idxv[ib]
                ovb = outv

                def grp_body(grp, _g):
                    base = grp * 16
                    acc0 = plsc.load_gather(slice_v, [ivb[0, pl.ds(base, 16)]])
                    acc1 = plsc.load_gather(slice_v, [ivb[1, pl.ds(base, 16)]])
                    for l in range(2, L, 2):
                        acc0 = acc0 + plsc.load_gather(
                            slice_v, [ivb[l, pl.ds(base, 16)]])
                        acc1 = acc1 + plsc.load_gather(
                            slice_v, [ivb[l + 1, pl.ds(base, 16)]])
                    ovb[pl.ds(blk * BB + base, 16)] = acc0 + acc1
                    return _g

                lax.fori_loop(0, NGRP, grp_body, 0, unroll=4)
            return carry

        lax.fori_loop(0, NBLK // 2, blk_pair, 0, unroll=False)

    def next_f_of(u):
        return jnp.minimum((u + 1) // D, F - 1)

    def unit_body(k, carry):
        u = wid * UNITS_W + k
        f = u // D
        d = u - f * D

        cps = slice_copies(f, d, u)
        for cp in cps:
            cp.start()

        @pl.when(k >= 1)
        def _drain_prev():
            out_copy(u - 1).wait()

        for cp in cps:
            cp.wait()
        process_blocks(f, next_f_of(u))
        out_copy(u).start()
        return carry

    first_u = wid * UNITS_W
    idx_copy(first_u // D, 0, 0).start()
    lax.fori_loop(0, UNITS_W, unit_body, 0, unroll=False)
    last_u = wid * UNITS_W + UNITS_W - 1
    idx_copy(next_f_of(last_u), 0, 0).wait()
    out_copy(last_u).wait()


@jax.jit
def kernel(indices, tables):
    tbl_t = tables.transpose(0, 2, 1)
    idx_t = indices.astype(jnp.int32).transpose(1, 2, 0)
    tail = jnp.pad(tbl_t[:, :, VMAIN:], ((0, 0), (0, 0), (0, 128 - VTAIL)))
    tail = tail.reshape(UNITS, 128)

    mesh = plsc.VectorSubcoreMesh(core_axis_name="c", subcore_axis_name="s")
    run = functools.partial(
        pl.kernel,
        out_type=jax.ShapeDtypeStruct((UNITS, B), jnp.float32),
        mesh=mesh,
        compiler_params=pltpu.CompilerParams(needs_layout_passes=False),
        scratch_types=[
            pltpu.VMEM((VMAIN + 128,), jnp.float32),
            pltpu.VMEM((L, BB), jnp.int32),
            pltpu.VMEM((L, BB), jnp.int32),
            pltpu.VMEM((B,), jnp.float32),
            pltpu.SemaphoreType.DMA,
            pltpu.SemaphoreType.DMA,
            pltpu.SemaphoreType.DMA,
            pltpu.SemaphoreType.DMA,
        ],
    )(_sc_pooled_lookup_t)
    out_t = run(tbl_t, tail, idx_t)
    return out_t.reshape(F, D, B).transpose(2, 0, 1)

# --- scband reference (transcript-rebuilt; emitter-appended) ---
"""Pipeline reference for scband-sparse-arch-48765058679599 (READ-ONLY COPY).

The authoritative reference and input builder live on the scoring server;
editing this copy changes nothing except your own understanding.
"""

import jax, jax.numpy as jnp
import numpy as np

B, F, L, V, D = 4096, 26, 20, 100000, 32

def setup_inputs(seed: int = 0) -> dict:
    key = jax.random.key(seed)
    k1, k2 = jax.random.split(key)
    indices = jax.random.randint(k1, (B, F, L), 0, V, dtype=jnp.int64)
    # F separate embedding tables stacked: [F, V, D]
    tables = jax.random.normal(k2, (F, V, D), dtype=jnp.float32) * 0.01
    return {"indices": indices, "tables": tables}

def reference(indices, tables):
    # EmbeddingBagCollection with sum pooling, one bag of L ids per (sample, feature).
    # Gather per-feature embeddings: tables[f, indices[b, f, l], :]
    f_idx = jnp.arange(F, dtype=indices.dtype)[None, :, None]  # [1, F, 1]
    gathered = tables[f_idx, indices]  # [B, F, L, D]
    pooled = jnp.sum(gathered, axis=2)  # [B, F, D] -- KeyedTensor equivalent, B x F x D
    return pooled

if __name__ == "__main__":
    import jax
    _d = setup_inputs()
    print(jax.jit(kernel)(*tuple(_d.values())))

</pallas_src>

<mosaic_0001>
#map = affine_map<(d0, d1) -> (0, 0, 0)>
#map1 = affine_map<(d0, d1) -> (0, 0)>
module attributes {stable_mosaic.version = 14 : i64} {
  func.func @_sc_pooled_lookup_t(%arg0: i32, %arg1: i32, %arg2: memref<26x32x100000xf32, #tpu.memory_space<hbm>>, %arg3: memref<832x128xf32, #tpu.memory_space<hbm>>, %arg4: memref<26x20x4096xi32, #tpu.memory_space<hbm>>, %arg5: memref<832x4096xf32, #tpu.memory_space<hbm>>, %arg6: memref<100096xf32, #tpu.memory_space<vmem>>, %arg7: memref<20x512xi32, #tpu.memory_space<vmem>>, %arg8: memref<20x512xi32, #tpu.memory_space<vmem>>, %arg9: memref<4096xf32, #tpu.memory_space<vmem>>, %arg10: memref<!tpu.dma_semaphore, #tpu.memory_space<semaphore_mem>>, %arg11: memref<!tpu.dma_semaphore, #tpu.memory_space<semaphore_mem>>, %arg12: memref<!tpu.dma_semaphore, #tpu.memory_space<semaphore_mem>>, %arg13: memref<!tpu.dma_semaphore, #tpu.memory_space<semaphore_mem>>) attributes {dimension_semantics = [#tpu.dimension_semantics<core_parallel>, #tpu.dimension_semantics<subcore_parallel>], iteration_bounds = array<i64: 2, 16>, scalar_prefetch = 0 : i64, scratch_operands = 8 : i64, tpu.core_type = #tpu.core_type<sc_vector_subcore>, window_params = [{transform_indices = #map}, {transform_indices = #map1}, {transform_indices = #map}, {transform_indices = #map1}]} {
    %mul3A = arith.constant 2 : i32
    %mul3A_0 = arith.muli %arg1, %mul3A : i32
    %add3A = arith.addi %mul3A_0, %arg0 : i32
    %mul3A_1 = arith.constant 26 : i32
    %mul3A_2 = arith.muli %add3A, %mul3A_1 : i32
    %jit3A = arith.constant 32 : i32
    %div3A = arith.divsi %mul3A_2, %jit3A : i32
    %sign3A = arith.constant 0 : i32
    %sign3A_3 = arith.cmpi sgt, %mul3A_2, %sign3A : i32
    %sign3A_4 = arith.extui %sign3A_3 : i1 to i32
    %sign3A_5 = arith.constant 0 : i32
    %sign3A_6 = arith.cmpi slt, %mul3A_2, %sign3A_5 : i32
    %sign3A_7 = arith.extui %sign3A_6 : i1 to i32
    %sign3A_8 = arith.subi %sign3A_4, %sign3A_7 : i32
    %sign3A_9 = arith.constant 0 : i32
    %sign3A_10 = arith.cmpi sgt, %jit3A, %sign3A_9 : i32
    %sign3A_11 = arith.extui %sign3A_10 : i1 to i32
    %sign3A_12 = arith.constant 0 : i32
    %sign3A_13 = arith.cmpi slt, %jit3A, %sign3A_12 : i32
    %sign3A_14 = arith.extui %sign3A_13 : i1 to i32
    %sign3A_15 = arith.subi %sign3A_11, %sign3A_14 : i32
    %ne3A = arith.cmpi ne, %sign3A_8, %sign3A_15 : i32
    %rem3A = arith.remsi %mul3A_2, %jit3A : i32
    %ne3A_16 = arith.constant 0 : i32
    %ne3A_17 = arith.cmpi ne, %rem3A, %ne3A_16 : i32
    %and3A = arith.andi %ne3A, %ne3A_17 : i1
    %sub3A = arith.constant 1 : i32
    %sub3A_18 = arith.subi %div3A, %sub3A : i32
    %select_n3A = arith.select %and3A, %sub3A_18, %div3A : i32
    %dma_start3A = arith.constant 0 : i32
    %dma_start3A_19 = arith.constant 0 : i32
    %dma_start3A_20 = tpu.memref_slice %arg4[%select_n3A, %dma_start3A, %dma_start3A_19] : memref<26x20x4096xi32, #tpu.memory_space<hbm>> -> memref<1x20x512xi32, #tpu.memory_space<hbm>>
    %dma_start3A_21 = tpu.memref_squeeze %dma_start3A_20 : memref<1x20x512xi32, #tpu.memory_space<hbm>> -> memref<20x512xi32, #tpu.memory_space<hbm>>
    %dma_start3A_22 = arith.constant 0 : i32
    %dma_start3A_23 = arith.constant 0 : i32
    %dma_start3A_24 = tpu.memref_slice %arg4[%select_n3A, %dma_start3A_22, %dma_start3A_23] : memref<26x20x4096xi32, #tpu.memory_space<hbm>> -> memref<1x20x512xi32, #tpu.memory_space<hbm>>
    %dma_start3A_25 = tpu.memref_squeeze %dma_start3A_24 : memref<1x20x512xi32, #tpu.memory_space<hbm>> -> memref<20x512xi32, #tpu.memory_space<hbm>>
    tpu.enqueue_dma source(%dma_start3A_25 : memref<20x512xi32, #tpu.memory_space<hbm>>) target(%arg7 : memref<20x512xi32, #tpu.memory_space<vmem>>) target_semaphore(%arg11 : memref<!tpu.dma_semaphore, #tpu.memory_space<semaphore_mem>>)
    %scan3A = arith.constant 0 : i32
    %scan3A_26 = arith.constant 0 : i32
    %scan3A_27 = arith.constant 26 : i32
    %scan3A_28 = arith.addi %scan3A_26, %scan3A_27 : i32
    %scan3A_29 = arith.constant 1 : i32
    scf.for %scan3A_77 = %scan3A_26 to %scan3A_28 step %scan3A_29  : i32 {
      %mul3A_78 = arith.constant 26 : i32
      %mul3A_79 = arith.muli %add3A, %mul3A_78 : i32
      %add3A_80 = arith.addi %mul3A_79, %scan3A_77 : i32
      %jit3A_81 = arith.constant 32 : i32
      %div3A_82 = arith.divsi %add3A_80, %jit3A_81 : i32
      %sign3A_83 = arith.constant 0 : i32
      %sign3A_84 = arith.cmpi sgt, %add3A_80, %sign3A_83 : i32
      %sign3A_85 = arith.extui %sign3A_84 : i1 to i32
      %sign3A_86 = arith.constant 0 : i32
      %sign3A_87 = arith.cmpi slt, %add3A_80, %sign3A_86 : i32
      %sign3A_88 = arith.extui %sign3A_87 : i1 to i32
      %sign3A_89 = arith.subi %sign3A_85, %sign3A_88 : i32
      %sign3A_90 = arith.constant 0 : i32
      %sign3A_91 = arith.cmpi sgt, %jit3A_81, %sign3A_90 : i32
      %sign3A_92 = arith.extui %sign3A_91 : i1 to i32
      %sign3A_93 = arith.constant 0 : i32
      %sign3A_94 = arith.cmpi slt, %jit3A_81, %sign3A_93 : i32
      %sign3A_95 = arith.extui %sign3A_94 : i1 to i32
      %sign3A_96 = arith.subi %sign3A_92, %sign3A_95 : i32
      %ne3A_97 = arith.cmpi ne, %sign3A_89, %sign3A_96 : i32
      %rem3A_98 = arith.remsi %add3A_80, %jit3A_81 : i32
      %ne3A_99 = arith.constant 0 : i32
      %ne3A_100 = arith.cmpi ne, %rem3A_98, %ne3A_99 : i32
      %and3A_101 = arith.andi %ne3A_97, %ne3A_100 : i1
      %sub3A_102 = arith.constant 1 : i32
      %sub3A_103 = arith.subi %div3A_82, %sub3A_102 : i32
      %select_n3A_104 = arith.select %and3A_101, %sub3A_103, %div3A_82 : i32
      %mul3A_105 = arith.constant 32 : i32
      %mul3A_106 = arith.muli %select_n3A_104, %mul3A_105 : i32
      %sub3A_107 = arith.subi %add3A_80, %mul3A_106 : i32
      %dma_start3A_108 = arith.constant 0 : i32
      %dma_start3A_109 = tpu.memref_slice %arg6[%dma_start3A_108] : memref<100096xf32, #tpu.memory_space<vmem>> -> memref<25088xf32, #tpu.memory_space<vmem>>
      %dma_start3A_110 = arith.constant 0 : i32
      %dma_start3A_111 = tpu.memref_slice %arg2[%select_n3A_104, %sub3A_107, %dma_start3A_110] : memref<26x32x100000xf32, #tpu.memory_space<hbm>> -> memref<1x1x25088xf32, #tpu.memory_space<hbm>>
      %dma_start3A_112 = tpu.memref_squeeze %dma_start3A_111 : memref<1x1x25088xf32, #tpu.memory_space<hbm>> -> memref<25088xf32, #tpu.memory_space<hbm>>
      %dma_start3A_113 = arith.constant 0 : i32
      %dma_start3A_114 = tpu.memref_slice %arg6[%dma_start3A_113] : memref<100096xf32, #tpu.memory_space<vmem>> -> memref<25088xf32, #tpu.memory_space<vmem>>
      %dma_start3A_115 = arith.constant 0 : i32
      %dma_start3A_116 = tpu.memref_slice %arg2[%select_n3A_104, %sub3A_107, %dma_start3A_115] : memref<26x32x100000xf32, #tpu.memory_space<hbm>> -> memref<1x1x25088xf32, #tpu.memory_space<hbm>>
      %dma_start3A_117 = tpu.memref_squeeze %dma_start3A_116 : memref<1x1x25088xf32, #tpu.memory_space<hbm>> -> memref<25088xf32, #tpu.memory_space<hbm>>
      tpu.enqueue_dma source(%dma_start3A_117 : memref<25088xf32, #tpu.memory_space<hbm>>) target(%dma_start3A_114 : memref<25088xf32, #tpu.memory_space<vmem>>) target_semaphore(%arg10 : memref<!tpu.dma_semaphore, #tpu.memory_space<semaphore_mem>>)
      %dma_start3A_118 = arith.constant 25088 : i32
      %dma_start3A_119 = tpu.memref_slice %arg6[%dma_start3A_118] : memref<100096xf32, #tpu.memory_space<vmem>> -> memref<24960xf32, #tpu.memory_space<vmem>>
      %dma_start3A_120 = arith.constant 25088 : i32
      %dma_start3A_121 = tpu.memref_slice %arg2[%select_n3A_104, %sub3A_107, %dma_start3A_120] : memref<26x32x100000xf32, #tpu.memory_space<hbm>> -> memref<1x1x24960xf32, #tpu.memory_space<hbm>>
      %dma_start3A_122 = tpu.memref_squeeze %dma_start3A_121 : memref<1x1x24960xf32, #tpu.memory_space<hbm>> -> memref<24960xf32, #tpu.memory_space<hbm>>
      %dma_start3A_123 = arith.constant 25088 : i32
      %dma_start3A_124 = tpu.memref_slice %arg6[%dma_start3A_123] : memref<100096xf32, #tpu.memory_space<vmem>> -> memref<24960xf32, #tpu.memory_space<vmem>>
      %dma_start3A_125 = arith.constant 25088 : i32
      %dma_start3A_126 = tpu.memref_slice %arg2[%select_n3A_104, %sub3A_107, %dma_start3A_125] : memref<26x32x100000xf32, #tpu.memory_space<hbm>> -> memref<1x1x24960xf32, #tpu.memory_space<hbm>>
      %dma_start3A_127 = tpu.memref_squeeze %dma_start3A_126 : memref<1x1x24960xf32, #tpu.memory_space<hbm>> -> memref<24960xf32, #tpu.memory_space<hbm>>
      tpu.enqueue_dma source(%dma_start3A_127 : memref<24960xf32, #tpu.memory_space<hbm>>) target(%dma_start3A_124 : memref<24960xf32, #tpu.memory_space<vmem>>) target_semaphore(%arg10 : memref<!tpu.dma_semaphore, #tpu.memory_space<semaphore_mem>>)
      %dma_start3A_128 = arith.constant 50048 : i32
      %dma_start3A_129 = tpu.memref_slice %arg6[%dma_start3A_128] : memref<100096xf32, #tpu.memory_space<vmem>> -> memref<24960xf32, #tpu.memory_space<vmem>>
      %dma_start3A_130 = arith.constant 50048 : i32
      %dma_start3A_131 = tpu.memref_slice %arg2[%select_n3A_104, %sub3A_107, %dma_start3A_130] : memref<26x32x100000xf32, #tpu.memory_space<hbm>> -> memref<1x1x24960xf32, #tpu.memory_space<hbm>>
      %dma_start3A_132 = tpu.memref_squeeze %dma_start3A_131 : memref<1x1x24960xf32, #tpu.memory_space<hbm>> -> memref<24960xf32, #tpu.memory_space<hbm>>
      %dma_start3A_133 = arith.constant 50048 : i32
      %dma_start3A_134 = tpu.memref_slice %arg6[%dma_start3A_133] : memref<100096xf32, #tpu.memory_space<vmem>> -> memref<24960xf32, #tpu.memory_space<vmem>>
      %dma_start3A_135 = arith.constant 50048 : i32
      %dma_start3A_136 = tpu.memref_slice %arg2[%select_n3A_104, %sub3A_107, %dma_start3A_135] : memref<26x32x100000xf32, #tpu.memory_space<hbm>> -> memref<1x1x24960xf32, #tpu.memory_space<hbm>>
      %dma_start3A_137 = tpu.memref_squeeze %dma_start3A_136 : memref<1x1x24960xf32, #tpu.memory_space<hbm>> -> memref<24960xf32, #tpu.memory_space<hbm>>
      tpu.enqueue_dma source(%dma_start3A_137 : memref<24960xf32, #tpu.memory_space<hbm>>) target(%dma_start3A_134 : memref<24960xf32, #tpu.memory_space<vmem>>) target_semaphore(%arg10 : memref<!tpu.dma_semaphore, #tpu.memory_space<semaphore_mem>>)
      %dma_start3A_138 = arith.constant 75008 : i32
      %dma_start3A_139 = tpu.memref_slice %arg6[%dma_start3A_138] : memref<100096xf32, #tpu.memory_space<vmem>> -> memref<24960xf32, #tpu.memory_space<vmem>>
      %dma_start3A_140 = arith.constant 75008 : i32
      %dma_start3A_141 = tpu.memref_slice %arg2[%select_n3A_104, %sub3A_107, %dma_start3A_140] : memref<26x32x100000xf32, #tpu.memory_space<hbm>> -> memref<1x1x24960xf32, #tpu.memory_space<hbm>>
      %dma_start3A_142 = tpu.memref_squeeze %dma_start3A_141 : memref<1x1x24960xf32, #tpu.memory_space<hbm>> -> memref<24960xf32, #tpu.memory_space<hbm>>
      %dma_start3A_143 = arith.constant 75008 : i32
      %dma_start3A_144 = tpu.memref_slice %arg6[%dma_start3A_143] : memref<100096xf32, #tpu.memory_space<vmem>> -> memref<24960xf32, #tpu.memory_space<vmem>>
      %dma_start3A_145 = arith.constant 75008 : i32
      %dma_start3A_146 = tpu.memref_slice %arg2[%select_n3A_104, %sub3A_107, %dma_start3A_145] : memref<26x32x100000xf32, #tpu.memory_space<hbm>> -> memref<1x1x24960xf32, #tpu.memory_space<hbm>>
      %dma_start3A_147 = tpu.memref_squeeze %dma_start3A_146 : memref<1x1x24960xf32, #tpu.memory_space<hbm>> -> memref<24960xf32, #tpu.memory_space<hbm>>
      tpu.enqueue_dma source(%dma_start3A_147 : memref<24960xf32, #tpu.memory_space<hbm>>) target(%dma_start3A_144 : memref<24960xf32, #tpu.memory_space<vmem>>) target_semaphore(%arg10 : memref<!tpu.dma_semaphore, #tpu.memory_space<semaphore_mem>>)
      %dma_start3A_148 = arith.constant 99968 : i32
      %dma_start3A_149 = tpu.memref_slice %arg6[%dma_start3A_148] : memref<100096xf32, #tpu.memory_space<vmem>> -> memref<128xf32, #tpu.memory_space<vmem>>
      %dma_start3A_150 = arith.constant 0 : i32
      %dma_start3A_151 = tpu.memref_slice %arg3[%add3A_80, %dma_start3A_150] : memref<832x128xf32, #tpu.memory_space<hbm>> -> memref<1x128xf32, #tpu.memory_space<hbm>>
      %dma_start3A_152 = tpu.memref_squeeze %dma_start3A_151 : memref<1x128xf32, #tpu.memory_space<hbm>> -> memref<128xf32, #tpu.memory_space<hbm>>
      %dma_start3A_153 = arith.constant 99968 : i32
      %dma_start3A_154 = tpu.memref_slice %arg6[%dma_start3A_153] : memref<100096xf32, #tpu.memory_space<vmem>> -> memref<128xf32, #tpu.memory_space<vmem>>
      %dma_start3A_155 = arith.constant 0 : i32
      %dma_start3A_156 = tpu.memref_slice %arg3[%add3A_80, %dma_start3A_155] : memref<832x128xf32, #tpu.memory_space<hbm>> -> memref<1x128xf32, #tpu.memory_space<hbm>>
      %dma_start3A_157 = tpu.memref_squeeze %dma_start3A_156 : memref<1x128xf32, #tpu.memory_space<hbm>> -> memref<128xf32, #tpu.memory_space<hbm>>
      tpu.enqueue_dma source(%dma_start3A_157 : memref<128xf32, #tpu.memory_space<hbm>>) target(%dma_start3A_154 : memref<128xf32, #tpu.memory_space<vmem>>) target_semaphore(%arg10 : memref<!tpu.dma_semaphore, #tpu.memory_space<semaphore_mem>>)
      %ge3A = arith.constant 1 : i32
      %ge3A_158 = arith.cmpi sge, %scan3A_77, %ge3A : i32
      %convert_element_type3A = arith.extui %ge3A_158 : i1 to i32
      %cond3A = arith.constant 0 : i32
      %cond3A_159 = arith.cmpi ne, %convert_element_type3A, %cond3A : i32
      scf.if %cond3A_159 {
        %sub3A_250 = arith.constant 1 : i32
        %sub3A_251 = arith.subi %add3A_80, %sub3A_250 : i32
        %dma_wait3A_252 = arith.constant 0 : i32
        %dma_wait3A_253 = tpu.memref_slice %arg5[%sub3A_251, %dma_wait3A_252] : memref<832x4096xf32, #tpu.memory_space<hbm>> -> memref<1x4096xf32, #tpu.memory_space<hbm>>
        %dma_wait3A_254 = tpu.memref_squeeze %dma_wait3A_253 : memref<1x4096xf32, #tpu.memory_space<hbm>> -> memref<4096xf32, #tpu.memory_space<hbm>>
        %dma_wait3A_255 = arith.constant 0 : i32
        %dma_wait3A_256 = tpu.memref_slice %arg5[%sub3A_251, %dma_wait3A_255] : memref<832x4096xf32, #tpu.memory_space<hbm>> -> memref<1x4096xf32, #tpu.memory_space<hbm>>
        %dma_wait3A_257 = tpu.memref_squeeze %dma_wait3A_256 : memref<1x4096xf32, #tpu.memory_space<hbm>> -> memref<4096xf32, #tpu.memory_space<hbm>>
        tpu.wait_dma2 semaphore(%arg13 : memref<!tpu.dma_semaphore, #tpu.memory_space<semaphore_mem>>) src(%arg9 : memref<4096xf32, #tpu.memory_space<vmem>>) dst(%dma_wait3A_257 : memref<4096xf32, #tpu.memory_space<hbm>>)
      } else {
      }
      %dma_wait3A_160 = arith.constant 0 : i32
      %dma_wait3A_161 = tpu.memref_slice %arg6[%dma_wait3A_160] : memref<100096xf32, #tpu.memory_space<vmem>> -> memref<25088xf32, #tpu.memory_space<vmem>>
      %dma_wait3A_162 = arith.constant 0 : i32
      %dma_wait3A_163 = tpu.memref_slice %arg2[%select_n3A_104, %sub3A_107, %dma_wait3A_162] : memref<26x32x100000xf32, #tpu.memory_space<hbm>> -> memref<1x1x25088xf32, #tpu.memory_space<hbm>>
      %dma_wait3A_164 = tpu.memref_squeeze %dma_wait3A_163 : memref<1x1x25088xf32, #tpu.memory_space<hbm>> -> memref<25088xf32, #tpu.memory_space<hbm>>
      %dma_wait3A_165 = arith.constant 0 : i32
      %dma_wait3A_166 = tpu.memref_slice %arg6[%dma_wait3A_165] : memref<100096xf32, #tpu.memory_space<vmem>> -> memref<25088xf32, #tpu.memory_space<vmem>>
      %dma_wait3A_167 = arith.constant 0 : i32
      %dma_wait3A_168 = tpu.memref_slice %arg2[%select_n3A_104, %sub3A_107, %dma_wait3A_167] : memref<26x32x100000xf32, #tpu.memory_space<hbm>> -> memref<1x1x25088xf32, #tpu.memory_space<hbm>>
      %dma_wait3A_169 = tpu.memref_squeeze %dma_wait3A_168 : memref<1x1x25088xf32, #tpu.memory_space<hbm>> -> memref<25088xf32, #tpu.memory_space<hbm>>
      tpu.wait_dma2 semaphore(%arg10 : memref<!tpu.dma_semaphore, #tpu.memory_space<semaphore_mem>>) src(%dma_wait3A_169 : memref<25088xf32, #tpu.memory_space<hbm>>) dst(%dma_wait3A_166 : memref<25088xf32, #tpu.memory_space<vmem>>)
      %dma_wait3A_170 = arith.constant 25088 : i32
      %dma_wait3A_171 = tpu.memref_slice %arg6[%dma_wait3A_170] : memref<100096xf32, #tpu.memory_space<vmem>> -> memref<24960xf32, #tpu.memory_space<vmem>>
      %dma_wait3A_172 = arith.constant 25088 : i32
      %dma_wait3A_173 = tpu.memref_slice %arg2[%select_n3A_104, %sub3A_107, %dma_wait3A_172] : memref<26x32x100000xf32, #tpu.memory_space<hbm>> -> memref<1x1x24960xf32, #tpu.memory_space<hbm>>
      %dma_wait3A_174 = tpu.memref_squeeze %dma_wait3A_173 : memref<1x1x24960xf32, #tpu.memory_space<hbm>> -> memref<24960xf32, #tpu.memory_space<hbm>>
      %dma_wait3A_175 = arith.constant 25088 : i32
      %dma_wait3A_176 = tpu.memref_slice %arg6[%dma_wait3A_175] : memref<100096xf32, #tpu.memory_space<vmem>> -> memref<24960xf32, #tpu.memory_space<vmem>>
      %dma_wait3A_177 = arith.constant 25088 : i32
      %dma_wait3A_178 = tpu.memref_slice %arg2[%select_n3A_104, %sub3A_107, %dma_wait3A_177] : memref<26x32x100000xf32, #tpu.memory_space<hbm>> -> memref<1x1x24960xf32, #tpu.memory_space<hbm>>
      %dma_wait3A_179 = tpu.memref_squeeze %dma_wait3A_178 : memref<1x1x24960xf32, #tpu.memory_space<hbm>> -> memref<24960xf32, #tpu.memory_space<hbm>>
      tpu.wait_dma2 semaphore(%arg10 : memref<!tpu.dma_semaphore, #tpu.memory_space<semaphore_mem>>) src(%dma_wait3A_179 : memref<24960xf32, #tpu.memory_space<hbm>>) dst(%dma_wait3A_176 : memref<24960xf32, #tpu.memory_space<vmem>>)
      %dma_wait3A_180 = arith.constant 50048 : i32
      %dma_wait3A_181 = tpu.memref_slice %arg6[%dma_wait3A_180] : memref<100096xf32, #tpu.memory_space<vmem>> -> memref<24960xf32, #tpu.memory_space<vmem>>
      %dma_wait3A_182 = arith.constant 50048 : i32
      %dma_wait3A_183 = tpu.memref_slice %arg2[%select_n3A_104, %sub3A_107, %dma_wait3A_182] : memref<26x32x100000xf32, #tpu.memory_space<hbm>> -> memref<1x1x24960xf32, #tpu.memory_space<hbm>>
      %dma_wait3A_184 = tpu.memref_squeeze %dma_wait3A_183 : memref<1x1x24960xf32, #tpu.memory_space<hbm>> -> memref<24960xf32, #tpu.memory_space<hbm>>
      %dma_wait3A_185 = arith.constant 50048 : i32
      %dma_wait3A_186 = tpu.memref_slice %arg6[%dma_wait3A_185] : memref<100096xf32, #tpu.memory_space<vmem>> -> memref<24960xf32, #tpu.memory_space<vmem>>
      %dma_wait3A_187 = arith.constant 50048 : i32
      %dma_wait3A_188 = tpu.memref_slice %arg2[%select_n3A_104, %sub3A_107, %dma_wait3A_187] : memref<26x32x100000xf32, #tpu.memory_space<hbm>> -> memref<1x1x24960xf32, #tpu.memory_space<hbm>>
      %dma_wait3A_189 = tpu.memref_squeeze %dma_wait3A_188 : memref<1x1x24960xf32, #tpu.memory_space<hbm>> -> memref<24960xf32, #tpu.memory_space<hbm>>
      tpu.wait_dma2 semaphore(%arg10 : memref<!tpu.dma_semaphore, #tpu.memory_space<semaphore_mem>>) src(%dma_wait3A_189 : memref<24960xf32, #tpu.memory_space<hbm>>) dst(%dma_wait3A_186 : memref<24960xf32, #tpu.memory_space<vmem>>)
      %dma_wait3A_190 = arith.constant 75008 : i32
      %dma_wait3A_191 = tpu.memref_slice %arg6[%dma_wait3A_190] : memref<100096xf32, #tpu.memory_space<vmem>> -> memref<24960xf32, #tpu.memory_space<vmem>>
      %dma_wait3A_192 = arith.constant 75008 : i32
      %dma_wait3A_193 = tpu.memref_slice %arg2[%select_n3A_104, %sub3A_107, %dma_wait3A_192] : memref<26x32x100000xf32, #tpu.memory_space<hbm>> -> memref<1x1x24960xf32, #tpu.memory_space<hbm>>
      %dma_wait3A_194 = tpu.memref_squeeze %dma_wait3A_193 : memref<1x1x24960xf32, #tpu.memory_space<hbm>> -> memref<24960xf32, #tpu.memory_space<hbm>>
      %dma_wait3A_195 = arith.constant 75008 : i32
      %dma_wait3A_196 = tpu.memref_slice %arg6[%dma_wait3A_195] : memref<100096xf32, #tpu.memory_space<vmem>> -> memref<24960xf32, #tpu.memory_space<vmem>>
      %dma_wait3A_197 = arith.constant 75008 : i32
      %dma_wait3A_198 = tpu.memref_slice %arg2[%select_n3A_104, %sub3A_107, %dma_wait3A_197] : memref<26x32x100000xf32, #tpu.memory_space<hbm>> -> memref<1x1x24960xf32, #tpu.memory_space<hbm>>
      %dma_wait3A_199 = tpu.memref_squeeze %dma_wait3A_198 : memref<1x1x24960xf32, #tpu.memory_space<hbm>> -> memref<24960xf32, #tpu.memory_space<hbm>>
      tpu.wait_dma2 semaphore(%arg10 : memref<!tpu.dma_semaphore, #tpu.memory_space<semaphore_mem>>) src(%dma_wait3A_199 : memref<24960xf32, #tpu.memory_space<hbm>>) dst(%dma_wait3A_196 : memref<24960xf32, #tpu.memory_space<vmem>>)
      %dma_wait3A_200 = arith.constant 99968 : i32
      %dma_wait3A_201 = tpu.memref_slice %arg6[%dma_wait3A_200] : memref<100096xf32, #tpu.memory_space<vmem>> -> memref<128xf32, #tpu.memory_space<vmem>>
      %dma_wait3A_202 = arith.constant 0 : i32
      %dma_wait3A_203 = tpu.memref_slice %arg3[%add3A_80, %dma_wait3A_202] : memref<832x128xf32, #tpu.memory_space<hbm>> -> memref<1x128xf32, #tpu.memory_space<hbm>>
      %dma_wait3A_204 = tpu.memref_squeeze %dma_wait3A_203 : memref<1x128xf32, #tpu.memory_space<hbm>> -> memref<128xf32, #tpu.memory_space<hbm>>
      %dma_wait3A_205 = arith.constant 99968 : i32
      %dma_wait3A_206 = tpu.memref_slice %arg6[%dma_wait3A_205] : memref<100096xf32, #tpu.memory_space<vmem>> -> memref<128xf32, #tpu.memory_space<vmem>>
      %dma_wait3A_207 = arith.constant 0 : i32
      %dma_wait3A_208 = tpu.memref_slice %arg3[%add3A_80, %dma_wait3A_207] : memref<832x128xf32, #tpu.memory_space<hbm>> -> memref<1x128xf32, #tpu.memory_space<hbm>>
      %dma_wait3A_209 = tpu.memref_squeeze %dma_wait3A_208 : memref<1x128xf32, #tpu.memory_space<hbm>> -> memref<128xf32, #tpu.memory_space<hbm>>
      tpu.wait_dma2 semaphore(%arg10 : memref<!tpu.dma_semaphore, #tpu.memory_space<semaphore_mem>>) src(%dma_wait3A_209 : memref<128xf32, #tpu.memory_space<hbm>>) dst(%dma_wait3A_206 : memref<128xf32, #tpu.memory_space<vmem>>)
      %add3A_210 = arith.constant 1 : i32
      %add3A_211 = arith.addi %add3A_80, %add3A_210 : i32
      %jit3A_212 = arith.constant 32 : i32
      %div3A_213 = arith.divsi %add3A_211, %jit3A_212 : i32
      %sign3A_214 = arith.constant 0 : i32
      %sign3A_215 = arith.cmpi sgt, %add3A_211, %sign3A_214 : i32
      %sign3A_216 = arith.extui %sign3A_215 : i1 to i32
      %sign3A_217 = arith.constant 0 : i32
      %sign3A_218 = arith.cmpi slt, %add3A_211, %sign3A_217 : i32
      %sign3A_219 = arith.extui %sign3A_218 : i1 to i32
      %sign3A_220 = arith.subi %sign3A_216, %sign3A_219 : i32
      %sign3A_221 = arith.constant 0 : i32
      %sign3A_222 = arith.cmpi sgt, %jit3A_212, %sign3A_221 : i32
      %sign3A_223 = arith.extui %sign3A_222 : i1 to i32
      %sign3A_224 = arith.constant 0 : i32
      %sign3A_225 = arith.cmpi slt, %jit3A_212, %sign3A_224 : i32
      %sign3A_226 = arith.extui %sign3A_225 : i1 to i32
      %sign3A_227 = arith.subi %sign3A_223, %sign3A_226 : i32
      %ne3A_228 = arith.cmpi ne, %sign3A_220, %sign3A_227 : i32
      %rem3A_229 = arith.remsi %add3A_211, %jit3A_212 : i32
      %ne3A_230 = arith.constant 0 : i32
      %ne3A_231 = arith.cmpi ne, %rem3A_229, %ne3A_230 : i32
      %and3A_232 = arith.andi %ne3A_228, %ne3A_231 : i1
      %sub3A_233 = arith.constant 1 : i32
      %sub3A_234 = arith.subi %div3A_213, %sub3A_233 : i32
      %select_n3A_235 = arith.select %and3A_232, %sub3A_234, %div3A_213 : i32
      %min3A_236 = arith.constant 25 : i32
      %min3A_237 = arith.minsi %select_n3A_235, %min3A_236 : i32
      %scan3A_238 = arith.constant 0 : i32
      %scan3A_239 = arith.constant 0 : i32
      %scan3A_240 = arith.constant 4 : i32
      %scan3A_241 = arith.addi %scan3A_239, %scan3A_240 : i32
      %scan3A_242 = arith.constant 1 : i32
      scf.for %scan3A_250 = %scan3A_239 to %scan3A_241 step %scan3A_242  : i32 {
        %mul3A_251 = arith.constant 2 : i32
        %mul3A_252 = arith.muli %mul3A_251, %scan3A_250 : i32
        %add3A_253 = arith.constant 0 : i32
        %add3A_254 = arith.addi %mul3A_252, %add3A_253 : i32
        %add3A_255 = arith.constant 1 : i32
        %add3A_256 = arith.addi %add3A_254, %add3A_255 : i32
        %mul3A_257 = arith.constant 512 : i32
        %mul3A_258 = arith.muli %add3A_256, %mul3A_257 : i32
        %dma_start3A_259 = arith.constant 0 : i32
        %dma_start3A_260 = tpu.memref_slice %arg4[%select_n3A_104, %dma_start3A_259, %mul3A_258] : memref<26x20x4096xi32, #tpu.memory_space<hbm>> -> memref<1x20x512xi32, #tpu.memory_space<hbm>>
        %dma_start3A_261 = tpu.memref_squeeze %dma_start3A_260 : memref<1x20x512xi32, #tpu.memory_space<hbm>> -> memref<20x512xi32, #tpu.memory_space<hbm>>
        %dma_start3A_262 = arith.constant 0 : i32
        %dma_start3A_263 = tpu.memref_slice %arg4[%select_n3A_104, %dma_start3A_262, %mul3A_258] : memref<26x20x4096xi32, #tpu.memory_space<hbm>> -> memref<1x20x512xi32, #tpu.memory_space<hbm>>
        %dma_start3A_264 = tpu.memref_squeeze %dma_start3A_263 : memref<1x20x512xi32, #tpu.memory_space<hbm>> -> memref<20x512xi32, #tpu.memory_space<hbm>>
        tpu.enqueue_dma source(%dma_start3A_264 : memref<20x512xi32, #tpu.memory_space<hbm>>) target(%arg8 : memref<20x512xi32, #tpu.memory_space<vmem>>) target_semaphore(%arg12 : memref<!tpu.dma_semaphore, #tpu.memory_space<semaphore_mem>>)
        %mul3A_265 = arith.constant 512 : i32
        %mul3A_266 = arith.muli %add3A_254, %mul3A_265 : i32
        %dma_wait3A_267 = arith.constant 0 : i32
        %dma_wait3A_268 = tpu.memref_slice %arg4[%select_n3A_104, %dma_wait3A_267, %mul3A_266] : memref<26x20x4096xi32, #tpu.memory_space<hbm>> -> memref<1x20x512xi32, #tpu.memory_space<hbm>>
        %dma_wait3A_269 = tpu.memref_squeeze %dma_wait3A_268 : memref<1x20x512xi32, #tpu.memory_space<hbm>> -> memref<20x512xi32, #tpu.memory_space<hbm>>
        %dma_wait3A_270 = arith.constant 0 : i32
        %dma_wait3A_271 = tpu.memref_slice %arg4[%select_n3A_104, %dma_wait3A_270, %mul3A_266] : memref<26x20x4096xi32, #tpu.memory_space<hbm>> -> memref<1x20x512xi32, #tpu.memory_space<hbm>>
        %dma_wait3A_272 = tpu.memref_squeeze %dma_wait3A_271 : memref<1x20x512xi32, #tpu.memory_space<hbm>> -> memref<20x512xi32, #tpu.memory_space<hbm>>
        tpu.wait_dma2 semaphore(%arg11 : memref<!tpu.dma_semaphore, #tpu.memory_space<semaphore_mem>>) src(%dma_wait3A_272 : memref<20x512xi32, #tpu.memory_space<hbm>>) dst(%arg7 : memref<20x512xi32, #tpu.memory_space<vmem>>)
        %scan3A_273 = arith.constant 0 : i32
        %scan3A_274 = arith.constant 0 : i32
        %scan3A_275 = arith.constant 32 : i32
        %scan3A_276 = arith.addi %scan3A_274, %scan3A_275 : i32
        %scan3A_277 = arith.constant 4 : i32
        scf.for %scan3A_305 = %scan3A_274 to %scan3A_276 step %scan3A_277  : i32 {
          %mul3A_306 = arith.constant 16 : i32
          %mul3A_307 = arith.muli %scan3A_305, %mul3A_306 : i32
          %get3A = arith.constant 0 : i32
          %get3A_308 = arith.index_cast %get3A : i32 to index
          %get3A_309 = arith.index_cast %mul3A_307 : i32 to index
          %get3A_310 = tpu.vector_load %arg7[%get3A_308, %get3A_309] {strides = array<i32>} : memref<20x512xi32, #tpu.memory_space<vmem>>, vector<16xi32>,
          %gather3A = tpu.vector_load_idx %arg6[%get3A_310] : memref<100096xf32, #tpu.memory_space<vmem>>[vector<16xi32>], vector<16xf32>,
          %get3A_311 = arith.constant 1 : i32
          %get3A_312 = arith.index_cast %get3A_311 : i32 to index
          %get3A_313 = arith.index_cast %mul3A_307 : i32 to index
          %get3A_314 = tpu.vector_load %arg7[%get3A_312, %get3A_313] {strides = array<i32>} : memref<20x512xi32, #tpu.memory_space<vmem>>, vector<16xi32>,
          %gather3A_315 = tpu.vector_load_idx %arg6[%get3A_314] : memref<100096xf32, #tpu.memory_space<vmem>>[vector<16xi32>], vector<16xf32>,
          %get3A_316 = arith.constant 2 : i32
          %get3A_317 = arith.index_cast %get3A_316 : i32 to index
          %get3A_318 = arith.index_cast %mul3A_307 : i32 to index
          %get3A_319 = tpu.vector_load %arg7[%get3A_317, %get3A_318] {strides = array<i32>} : memref<20x512xi32, #tpu.memory_space<vmem>>, vector<16xi32>,
          %gather3A_320 = tpu.vector_load_idx %arg6[%get3A_319] : memref<100096xf32, #tpu.memory_space<vmem>>[vector<16xi32>], vector<16xf32>,
          %add3A_321 = arith.addf %gather3A, %gather3A_320 : vector<16xf32>
          %get3A_322 = arith.constant 3 : i32
          %get3A_323 = arith.index_cast %get3A_322 : i32 to index
          %get3A_324 = arith.index_cast %mul3A_307 : i32 to index
          %get3A_325 = tpu.vector_load %arg7[%get3A_323, %get3A_324] {strides = array<i32>} : memref<20x512xi32, #tpu.memory_space<vmem>>, vector<16xi32>,
          %gather3A_326 = tpu.vector_load_idx %arg6[%get3A_325] : memref<100096xf32, #tpu.memory_space<vmem>>[vector<16xi32>], vector<16xf32>,
          %add3A_327 = arith.addf %gather3A_315, %gather3A_326 : vector<16xf32>
          %get3A_328 = arith.constant 4 : i32
          %get3A_329 = arith.index_cast %get3A_328 : i32 to index
          %get3A_330 = arith.index_cast %mul3A_307 : i32 to index
          %get3A_331 = tpu.vector_load %arg7[%get3A_329, %get3A_330] {strides = array<i32>} : memref<20x512xi32, #tpu.memory_space<vmem>>, vector<16xi32>,
          %gather3A_332 = tpu.vector_load_idx %arg6[%get3A_331] : memref<100096xf32, #tpu.memory_space<vmem>>[vector<16xi32>], vector<16xf32>,
          %add3A_333 = arith.addf %add3A_321, %gather3A_332 : vector<16xf32>
          %get3A_334 = arith.constant 5 : i32
          %get3A_335 = arith.index_cast %get3A_334 : i32 to index
          %get3A_336 = arith.index_cast %mul3A_307 : i32 to index
          %get3A_337 = tpu.vector_load %arg7[%get3A_335, %get3A_336] {strides = array<i32>} : memref<20x512xi32, #tpu.memory_space<vmem>>, vector<16xi32>,
          %gather3A_338 = tpu.vector_load_idx %arg6[%get3A_337] : memref<100096xf32, #tpu.memory_space<vmem>>[vector<16xi32>], vector<16xf32>,
          %add3A_339 = arith.addf %add3A_327, %gather3A_338 : vector<16xf32>
          %get3A_340 = arith.constant 6 : i32
          %get3A_341 = arith.index_cast %get3A_340 : i32 to index
          %get3A_342 = arith.index_cast %mul3A_307 : i32 to index
          %get3A_343 = tpu.vector_load %arg7[%get3A_341, %get3A_342] {strides = array<i32>} : memref<20x512xi32, #tpu.memory_space<vmem>>, vector<16xi32>,
          %gather3A_344 = tpu.vector_load_idx %arg6[%get3A_343] : memref<100096xf32, #tpu.memory_space<vmem>>[vector<16xi32>], vector<16xf32>,
          %add3A_345 = arith.addf %add3A_333, %gather3A_344 : vector<16xf32>
          %get3A_346 = arith.constant 7 : i32
          %get3A_347 = arith.index_cast %get3A_346 : i32 to index
          %get3A_348 = arith.index_cast %mul3A_307 : i32 to index
          %get3A_349 = tpu.vector_load %arg7[%get3A_347, %get3A_348] {strides = array<i32>} : memref<20x512xi32, #tpu.memory_space<vmem>>, vector<16xi32>,
          %gather3A_350 = tpu.vector_load_idx %arg6[%get3A_349] : memref<100096xf32, #tpu.memory_space<vmem>>[vector<16xi32>], vector<16xf32>,
          %add3A_351 = arith.addf %add3A_339, %gather3A_350 : vector<16xf32>
          %get3A_352 = arith.constant 8 : i32
          %get3A_353 = arith.index_cast %get3A_352 : i32 to index
          %get3A_354 = arith.index_cast %mul3A_307 : i32 to index
          %get3A_355 = tpu.vector_load %arg7[%get3A_353, %get3A_354] {strides = array<i32>} : memref<20x512xi32, #tpu.memory_space<vmem>>, vector<16xi32>,
          %gather3A_356 = tpu.vector_load_idx %arg6[%get3A_355] : memref<100096xf32, #tpu.memory_space<vmem>>[vector<16xi32>], vector<16xf32>,
          %add3A_357 = arith.addf %add3A_345, %gather3A_356 : vector<16xf32>
          %get3A_358 = arith.constant 9 : i32
          %get3A_359 = arith.index_cast %get3A_358 : i32 to index
          %get3A_360 = arith.index_cast %mul3A_307 : i32 to index
          %get3A_361 = tpu.vector_load %arg7[%get3A_359, %get3A_360] {strides = array<i32>} : memref<20x512xi32, #tpu.memory_space<vmem>>, vector<16xi32>,
          %gather3A_362 = tpu.vector_load_idx %arg6[%get3A_361] : memref<100096xf32, #tpu.memory_space<vmem>>[vector<16xi32>], vector<16xf32>,
          %add3A_363 = arith.addf %add3A_351, %gather3A_362 : vector<16xf32>
          %get3A_364 = arith.constant 10 : i32
          %get3A_365 = arith.index_cast %get3A_364 : i32 to index
          %get3A_366 = arith.index_cast %mul3A_307 : i32 to index
          %get3A_367 = tpu.vector_load %arg7[%get3A_365, %get3A_366] {strides = array<i32>} : memref<20x512xi32, #tpu.memory_space<vmem>>, vector<16xi32>,
          %gather3A_368 = tpu.vector_load_idx %arg6[%get3A_367] : memref<100096xf32, #tpu.memory_space<vmem>>[vector<16xi32>], vector<16xf32>,
          %add3A_369 = arith.addf %add3A_357, %gather3A_368 : vector<16xf32>
          %get3A_370 = arith.constant 11 : i32
          %get3A_371 = arith.index_cast %get3A_370 : i32 to index
          %get3A_372 = arith.index_cast %mul3A_307 : i32 to index
          %get3A_373 = tpu.vector_load %arg7[%get3A_371, %get3A_372] {strides = array<i32>} : memref<20x512xi32, #tpu.memory_space<vmem>>, vector<16xi32>,
          %gather3A_374 = tpu.vector_load_idx %arg6[%get3A_373] : memref<100096xf32, #tpu.memory_space<vmem>>[vector<16xi32>], vector<16xf32>,
          %add3A_375 = arith.addf %add3A_363, %gather3A_374 : vector<16xf32>
          %get3A_376 = arith.constant 12 : i32
          %get3A_377 = arith.index_cast %get3A_376 : i32 to index
          %get3A_378 = arith.index_cast %mul3A_307 : i32 to index
          %get3A_379 = tpu.vector_load %arg7[%get3A_377, %get3A_378] {strides = array<i32>} : memref<20x512xi32, #tpu.memory_space<vmem>>, vector<16xi32>,
          %gather3A_380 = tpu.vector_load_idx %arg6[%get3A_379] : memref<100096xf32, #tpu.memory_space<vmem>>[vector<16xi32>], vector<16xf32>,
          %add3A_381 = arith.addf %add3A_369, %gather3A_380 : vector<16xf32>
          %get3A_382 = arith.constant 13 : i32
          %get3A_383 = arith.index_cast %get3A_382 : i32 to index
          %get3A_384 = arith.index_cast %mul3A_307 : i32 to index
          %get3A_385 = tpu.vector_load %arg7[%get3A_383, %get3A_384] {strides = array<i32>} : memref<20x512xi32, #tpu.memory_space<vmem>>, vector<16xi32>,
          %gather3A_386 = tpu.vector_load_idx %arg6[%get3A_385] : memref<100096xf32, #tpu.memory_space<vmem>>[vector<16xi32>], vector<16xf32>,
          %add3A_387 = arith.addf %add3A_375, %gather3A_386 : vector<16xf32>
          %get3A_388 = arith.constant 14 : i32
          %get3A_389 = arith.index_cast %get3A_388 : i32 to index
          %get3A_390 = arith.index_cast %mul3A_307 : i32 to index
          %get3A_391 = tpu.vector_load %arg7[%get3A_389, %get3A_390] {strides = array<i32>} : memref<20x512xi32, #tpu.memory_space<vmem>>, vector<16xi32>,
          %gather3A_392 = tpu.vector_load_idx %arg6[%get3A_391] : memref<100096xf32, #tpu.memory_space<vmem>>[vector<16xi32>], vector<16xf32>,
          %add3A_393 = arith.addf %add3A_381, %gather3A_392 : vector<16xf32>
          %get3A_394 = arith.constant 15 : i32
          %get3A_395 = arith.index_cast %get3A_394 : i32 to index
          %get3A_396 = arith.index_cast %mul3A_307 : i32 to index
          %get3A_397 = tpu.vector_load %arg7[%get3A_395, %get3A_396] {strides = array<i32>} : memref<20x512xi32, #tpu.memory_space<vmem>>, vector<16xi32>,
          %gather3A_398 = tpu.vector_load_idx %arg6[%get3A_397] : memref<100096xf32, #tpu.memory_space<vmem>>[vector<16xi32>], vector<16xf32>,
          %add3A_399 = arith.addf %add3A_387, %gather3A_398 : vector<16xf32>
          %get3A_400 = arith.constant 16 : i32
          %get3A_401 = arith.index_cast %get3A_400 : i32 to index
          %get3A_402 = arith.index_cast %mul3A_307 : i32 to index
          %get3A_403 = tpu.vector_load %arg7[%get3A_401, %get3A_402] {strides = array<i32>} : memref<20x512xi32, #tpu.memory_space<vmem>>, vector<16xi32>,
          %gather3A_404 = tpu.vector_load_idx %arg6[%get3A_403] : memref<100096xf32, #tpu.memory_space<vmem>>[vector<16xi32>], vector<16xf32>,
          %add3A_405 = arith.addf %add3A_393, %gather3A_404 : vector<16xf32>
          %get3A_406 = arith.constant 17 : i32
          %get3A_407 = arith.index_cast %get3A_406 : i32 to index
          %get3A_408 = arith.index_cast %mul3A_307 : i32 to index
          %get3A_409 = tpu.vector_load %arg7[%get3A_407, %get3A_408] {strides = array<i32>} : memref<20x512xi32, #tpu.memory_space<vmem>>, vector<16xi32>,
          %gather3A_410 = tpu.vector_load_idx %arg6[%get3A_409] : memref<100096xf32, #tpu.memory_space<vmem>>[vector<16xi32>], vector<16xf32>,
          %add3A_411 = arith.addf %add3A_399, %gather3A_410 : vector<16xf32>
          %get3A_412 = arith.constant 18 : i32
          %get3A_413 = arith.index_cast %get3A_412 : i32 to index
          %get3A_414 = arith.index_cast %mul3A_307 : i32 to index
          %get3A_415 = tpu.vector_load %arg7[%get3A_413, %get3A_414] {strides = array<i32>} : memref<20x512xi32, #tpu.memory_space<vmem>>, vector<16xi32>,
          %gather3A_416 = tpu.vector_load_idx %arg6[%get3A_415] : memref<100096xf32, #tpu.memory_space<vmem>>[vector<16xi32>], vector<16xf32>,
          %add3A_417 = arith.addf %add3A_405, %gather3A_416 : vector<16xf32>
          %get3A_418 = arith.constant 19 : i32
          %get3A_419 = arith.index_cast %get3A_418 : i32 to index
          %get3A_420 = arith.index_cast %mul3A_307 : i32 to index
          %get3A_421 = tpu.vector_load %arg7[%get3A_419, %get3A_420] {strides = array<i32>} : memref<20x512xi32, #tpu.memory_space<vmem>>, vector<16xi32>,
          %gather3A_422 = tpu.vector_load_idx %arg6[%get3A_421] : memref<100096xf32, #tpu.memory_space<vmem>>[vector<16xi32>], vector<16xf32>,
          %add3A_423 = arith.addf %add3A_411, %gather3A_422 : vector<16xf32>
          %add3A_424 = arith.addf %add3A_417, %add3A_423 : vector<16xf32>
          %mul3A_425 = arith.constant 512 : i32
          %mul3A_426 = arith.muli %add3A_254, %mul3A_425 : i32
          %add3A_427 = arith.addi %mul3A_426, %mul3A_307 : i32
          %swap3A = arith.index_cast %add3A_427 : i32 to index
          %swap3A_428 = tpu.vector_load %arg9[%swap3A] {strides = array<i32>} : memref<4096xf32, #tpu.memory_space<vmem>>, vector<16xf32>,
          tpu.vector_store %arg9[%swap3A], %add3A_424 {strides = array<i32>} : memref<4096xf32, #tpu.memory_space<vmem>>, vector<16xf32>,
          %scan3A_429 = arith.constant 1 : i32
          %scan3A_430 = arith.addi %scan3A_305, %scan3A_429 : i32
          %mul3A_431 = arith.constant 16 : i32
          %mul3A_432 = arith.muli %scan3A_430, %mul3A_431 : i32
          %get3A_433 = arith.constant 0 : i32
          %get3A_434 = arith.index_cast %get3A_433 : i32 to index
          %get3A_435 = arith.index_cast %mul3A_432 : i32 to index
          %get3A_436 = tpu.vector_load %arg7[%get3A_434, %get3A_435] {strides = array<i32>} : memref<20x512xi32, #tpu.memory_space<vmem>>, vector<16xi32>,
          %gather3A_437 = tpu.vector_load_idx %arg6[%get3A_436] : memref<100096xf32, #tpu.memory_space<vmem>>[vector<16xi32>], vector<16xf32>,
          %get3A_438 = arith.constant 1 : i32
          %get3A_439 = arith.index_cast %get3A_438 : i32 to index
          %get3A_440 = arith.index_cast %mul3A_432 : i32 to index
          %get3A_441 = tpu.vector_load %arg7[%get3A_439, %get3A_440] {strides = array<i32>} : memref<20x512xi32, #tpu.memory_space<vmem>>, vector<16xi32>,
          %gather3A_442 = tpu.vector_load_idx %arg6[%get3A_441] : memref<100096xf32, #tpu.memory_space<vmem>>[vector<16xi32>], vector<16xf32>,
          %get3A_443 = arith.constant 2 : i32
          %get3A_444 = arith.index_cast %get3A_443 : i32 to index
          %get3A_445 = arith.index_cast %mul3A_432 : i32 to index
          %get3A_446 = tpu.vector_load %arg7[%get3A_444, %get3A_445] {strides = array<i32>} : memref<20x512xi32, #tpu.memory_space<vmem>>, vector<16xi32>,
          %gather3A_447 = tpu.vector_load_idx %arg6[%get3A_446] : memref<100096xf32, #tpu.memory_space<vmem>>[vector<16xi32>], vector<16xf32>,
          %add3A_448 = arith.addf %gather3A_437, %gather3A_447 : vector<16xf32>
          %get3A_449 = arith.constant 3 : i32
          %get3A_450 = arith.index_cast %get3A_449 : i32 to index
          %get3A_451 = arith.index_cast %mul3A_432 : i32 to index
          %get3A_452 = tpu.vector_load %arg7[%get3A_450, %get3A_451] {strides = array<i32>} : memref<20x512xi32, #tpu.memory_space<vmem>>, vector<16xi32>,
          %gather3A_453 = tpu.vector_load_idx %arg6[%get3A_452] : memref<100096xf32, #tpu.memory_space<vmem>>[vector<16xi32>], vector<16xf32>,
          %add3A_454 = arith.addf %gather3A_442, %gather3A_453 : vector<16xf32>
          %get3A_455 = arith.constant 4 : i32
          %get3A_456 = arith.index_cast %get3A_455 : i32 to index
          %get3A_457 = arith.index_cast %mul3A_432 : i32 to index
          %get3A_458 = tpu.vector_load %arg7[%get3A_456, %get3A_457] {strides = array<i32>} : memref<20x512xi32, #tpu.memory_space<vmem>>, vector<16xi32>,
          %gather3A_459 = tpu.vector_load_idx %arg6[%get3A_458] : memref<100096xf32, #tpu.memory_space<vmem>>[vector<16xi32>], vector<16xf32>,
          %add3A_460 = arith.addf %add3A_448, %gather3A_459 : vector<16xf32>
          %get3A_461 = arith.constant 5 : i32
          %get3A_462 = arith.index_cast %get3A_461 : i32 to index
          %get3A_463 = arith.index_cast %mul3A_432 : i32 to index
          %get3A_464 = tpu.vector_load %arg7[%get3A_462, %get3A_463] {strides = array<i32>} : memref<20x512xi32, #tpu.memory_space<vmem>>, vector<16xi32>,
          %gather3A_465 = tpu.vector_load_idx %arg6[%get3A_464] : memref<100096xf32, #tpu.memory_space<vmem>>[vector<16xi32>], vector<16xf32>,
          %add3A_466 = arith.addf %add3A_454, %gather3A_465 : vector<16xf32>
          %get3A_467 = arith.constant 6 : i32
          %get3A_468 = arith.index_cast %get3A_467 : i32 to index
          %get3A_469 = arith.index_cast %mul3A_432 : i32 to index
          %get3A_470 = tpu.vector_load %arg7[%get3A_468, %get3A_469] {strides = array<i32>} : memref<20x512xi32, #tpu.memory_space<vmem>>, vector<16xi32>,
          %gather3A_471 = tpu.vector_load_idx %arg6[%get3A_470] : memref<100096xf32, #tpu.memory_space<vmem>>[vector<16xi32>], vector<16xf32>,
          %add3A_472 = arith.addf %add3A_460, %gather3A_471 : vector<16xf32>
          %get3A_473 = arith.constant 7 : i32
          %get3A_474 = arith.index_cast %get3A_473 : i32 to index
          %get3A_475 = arith.index_cast %mul3A_432 : i32 to index
          %get3A_476 = tpu.vector_load %arg7[%get3A_474, %get3A_475] {strides = array<i32>} : memref<20x512xi32, #tpu.memory_space<vmem>>, vector<16xi32>,
          %gather3A_477 = tpu.vector_load_idx %arg6[%get3A_476] : memref<100096xf32, #tpu.memory_space<vmem>>[vector<16xi32>], vector<16xf32>,
          %add3A_478 = arith.addf %add3A_466, %gather3A_477 : vector<16xf32>
          %get3A_479 = arith.constant 8 : i32
          %get3A_480 = arith.index_cast %get3A_479 : i32 to index
          %get3A_481 = arith.index_cast %mul3A_432 : i32 to index
          %get3A_482 = tpu.vector_load %arg7[%get3A_480, %get3A_481] {strides = array<i32>} : memref<20x512xi32, #tpu.memory_space<vmem>>, vector<16xi32>,
          %gather3A_483 = tpu.vector_load_idx %arg6[%get3A_482] : memref<100096xf32, #tpu.memory_space<vmem>>[vector<16xi32>], vector<16xf32>,
          %add3A_484 = arith.addf %add3A_472, %gather3A_483 : vector<16xf32>
          %get3A_485 = arith.constant 9 : i32
          %get3A_486 = arith.index_cast %get3A_485 : i32 to index
          %get3A_487 = arith.index_cast %mul3A_432 : i32 to index
          %get3A_488 = tpu.vector_load %arg7[%get3A_486, %get3A_487] {strides = array<i32>} : memref<20x512xi32, #tpu.memory_space<vmem>>, vector<16xi32>,
          %gather3A_489 = tpu.vector_load_idx %arg6[%get3A_488] : memref<100096xf32, #tpu.memory_space<vmem>>[vector<16xi32>], vector<16xf32>,
          %add3A_490 = arith.addf %add3A_478, %gather3A_489 : vector<16xf32>
          %get3A_491 = arith.constant 10 : i32
          %get3A_492 = arith.index_cast %get3A_491 : i32 to index
          %get3A_493 = arith.index_cast %mul3A_432 : i32 to index
          %get3A_494 = tpu.vector_load %arg7[%get3A_492, %get3A_493] {strides = array<i32>} : memref<20x512xi32, #tpu.memory_space<vmem>>, vector<16xi32>,
          %gather3A_495 = tpu.vector_load_idx %arg6[%get3A_494] : memref<100096xf32, #tpu.memory_space<vmem>>[vector<16xi32>], vector<16xf32>,
          %add3A_496 = arith.addf %add3A_484, %gather3A_495 : vector<16xf32>
          %get3A_497 = arith.constant 11 : i32
          %get3A_498 = arith.index_cast %get3A_497 : i32 to index
          %get3A_499 = arith.index_cast %mul3A_432 : i32 to index
          %get3A_500 = tpu.vector_load %arg7[%get3A_498, %get3A_499] {strides = array<i32>} : memref<20x512xi32, #tpu.memory_space<vmem>>, vector<16xi32>,
          %gather3A_501 = tpu.vector_load_idx %arg6[%get3A_500] : memref<100096xf32, #tpu.memory_space<vmem>>[vector<16xi32>], vector<16xf32>,
          %add3A_502 = arith.addf %add3A_490, %gather3A_501 : vector<16xf32>
          %get3A_503 = arith.constant 12 : i32
          %get3A_504 = arith.index_cast %get3A_503 : i32 to index
          %get3A_505 = arith.index_cast %mul3A_432 : i32 to index
          %get3A_506 = tpu.vector_load %arg7[%get3A_504, %get3A_505] {strides = array<i32>} : memref<20x512xi32, #tpu.memory_space<vmem>>, vector<16xi32>,
          %gather3A_507 = tpu.vector_load_idx %arg6[%get3A_506] : memref<100096xf32, #tpu.memory_space<vmem>>[vector<16xi32>], vector<16xf32>,
          %add3A_508 = arith.addf %add3A_496, %gather3A_507 : vector<16xf32>
          %get3A_509 = arith.constant 13 : i32
          %get3A_510 = arith.index_cast %get3A_509 : i32 to index
          %get3A_511 = arith.index_cast %mul3A_432 : i32 to index
          %get3A_512 = tpu.vector_load %arg7[%get3A_510, %get3A_511] {strides = array<i32>} : memref<20x512xi32, #tpu.memory_space<vmem>>, vector<16xi32>,
          %gather3A_513 = tpu.vector_load_idx %arg6[%get3A_512] : memref<100096xf32, #tpu.memory_space<vmem>>[vector<16xi32>], vector<16xf32>,
          %add3A_514 = arith.addf %add3A_502, %gather3A_513 : vector<16xf32>
          %get3A_515 = arith.constant 14 : i32
          %get3A_516 = arith.index_cast %get3A_515 : i32 to index
          %get3A_517 = arith.index_cast %mul3A_432 : i32 to index
          %get3A_518 = tpu.vector_load %arg7[%get3A_516, %get3A_517] {strides = array<i32>} : memref<20x512xi32, #tpu.memory_space<vmem>>, vector<16xi32>,
          %gather3A_519 = tpu.vector_load_idx %arg6[%get3A_518] : memref<100096xf32, #tpu.memory_space<vmem>>[vector<16xi32>], vector<16xf32>,
          %add3A_520 = arith.addf %add3A_508, %gather3A_519 : vector<16xf32>
          %get3A_521 = arith.constant 15 : i32
          %get3A_522 = arith.index_cast %get3A_521 : i32 to index
          %get3A_523 = arith.index_cast %mul3A_432 : i32 to index
          %get3A_524 = tpu.vector_load %arg7[%get3A_522, %get3A_523] {strides = array<i32>} : memref<20x512xi32, #tpu.memory_space<vmem>>, vector<16xi32>,
          %gather3A_525 = tpu.vector_load_idx %arg6[%get3A_524] : memref<100096xf32, #tpu.memory_space<vmem>>[vector<16xi32>], vector<16xf32>,
          %add3A_526 = arith.addf %add3A_514, %gather3A_525 : vector<16xf32>
          %get3A_527 = arith.constant 16 : i32
          %get3A_528 = arith.index_cast %get3A_527 : i32 to index
          %get3A_529 = arith.index_cast %mul3A_432 : i32 to index
          %get3A_530 = tpu.vector_load %arg7[%get3A_528, %get3A_529] {strides = array<i32>} : memref<20x512xi32, #tpu.memory_space<vmem>>, vector<16xi32>,
          %gather3A_531 = tpu.vector_load_idx %arg6[%get3A_530] : memref<100096xf32, #tpu.memory_space<vmem>>[vector<16xi32>], vector<16xf32>,
          %add3A_532 = arith.addf %add3A_520, %gather3A_531 : vector<16xf32>
          %get3A_533 = arith.constant 17 : i32
          %get3A_534 = arith.index_cast %get3A_533 : i32 to index
          %get3A_535 = arith.index_cast %mul3A_432 : i32 to index
          %get3A_536 = tpu.vector_load %arg7[%get3A_534, %get3A_535] {strides = array<i32>} : memref<20x512xi32, #tpu.memory_space<vmem>>, vector<16xi32>,
          %gather3A_537 = tpu.vector_load_idx %arg6[%get3A_536] : memref<100096xf32, #tpu.memory_space<vmem>>[vector<16xi32>], vector<16xf32>,
          %add3A_538 = arith.addf %add3A_526, %gather3A_537 : vector<16xf32>
          %get3A_539 = arith.constant 18 : i32
          %get3A_540 = arith.index_cast %get3A_539 : i32 to index
          %get3A_541 = arith.index_cast %mul3A_432 : i32 to index
          %get3A_542 = tpu.vector_load %arg7[%get3A_540, %get3A_541] {strides = array<i32>} : memref<20x512xi32, #tpu.memory_space<vmem>>, vector<16xi32>,
          %gather3A_543 = tpu.vector_load_idx %arg6[%get3A_542] : memref<100096xf32, #tpu.memory_space<vmem>>[vector<16xi32>], vector<16xf32>,
          %add3A_544 = arith.addf %add3A_532, %gather3A_543 : vector<16xf32>
          %get3A_545 = arith.constant 19 : i32
          %get3A_546 = arith.index_cast %get3A_545 : i32 to index
          %get3A_547 = arith.index_cast %mul3A_432 : i32 to index
          %get3A_548 = tpu.vector_load %arg7[%get3A_546, %get3A_547] {strides = array<i32>} : memref<20x512xi32, #tpu.memory_space<vmem>>, vector<16xi32>,
          %gather3A_549 = tpu.vector_load_idx %arg6[%get3A_548] : memref<100096xf32, #tpu.memory_space<vmem>>[vector<16xi32>], vector<16xf32>,
          %add3A_550 = arith.addf %add3A_538, %gather3A_549 : vector<16xf32>
          %add3A_551 = arith.addf %add3A_544, %add3A_550 : vector<16xf32>
          %mul3A_552 = arith.constant 512 : i32
          %mul3A_553 = arith.muli %add3A_254, %mul3A_552 : i32
          %add3A_554 = arith.addi %mul3A_553, %mul3A_432 : i32
          %swap3A_555 = arith.index_cast %add3A_554 : i32 to index
          %swap3A_556 = tpu.vector_load %arg9[%swap3A_555] {strides = array<i32>} : memref<4096xf32, #tpu.memory_space<vmem>>, vector<16xf32>,
          tpu.vector_store %arg9[%swap3A_555], %add3A_551 {strides = array<i32>} : memref<4096xf32, #tpu.memory_space<vmem>>, vector<16xf32>,
          %scan3A_557 = arith.constant 2 : i32
          %scan3A_558 = arith.addi %scan3A_305, %scan3A_557 : i32
          %mul3A_559 = arith.constant 16 : i32
          %mul3A_560 = arith.muli %scan3A_558, %mul3A_559 : i32
          %get3A_561 = arith.constant 0 : i32
          %get3A_562 = arith.index_cast %get3A_561 : i32 to index
          %get3A_563 = arith.index_cast %mul3A_560 : i32 to index
          %get3A_564 = tpu.vector_load %arg7[%get3A_562, %get3A_563] {strides = array<i32>} : memref<20x512xi32, #tpu.memory_space<vmem>>, vector<16xi32>,
          %gather3A_565 = tpu.vector_load_idx %arg6[%get3A_564] : memref<100096xf32, #tpu.memory_space<vmem>>[vector<16xi32>], vector<16xf32>,
          %get3A_566 = arith.constant 1 : i32
          %get3A_567 = arith.index_cast %get3A_566 : i32 to index
          %get3A_568 = arith.index_cast %mul3A_560 : i32 to index
          %get3A_569 = tpu.vector_load %arg7[%get3A_567, %get3A_568] {strides = array<i32>} : memref<20x512xi32, #tpu.memory_space<vmem>>, vector<16xi32>,
          %gather3A_570 = tpu.vector_load_idx %arg6[%get3A_569] : memref<100096xf32, #tpu.memory_space<vmem>>[vector<16xi32>], vector<16xf32>,
          %get3A_571 = arith.constant 2 : i32
          %get3A_572 = arith.index_cast %get3A_571 : i32 to index
          %get3A_573 = arith.index_cast %mul3A_560 : i32 to index
          %get3A_574 = tpu.vector_load %arg7[%get3A_572, %get3A_573] {strides = array<i32>} : memref<20x512xi32, #tpu.memory_space<vmem>>, vector<16xi32>,
          %gather3A_575 = tpu.vector_load_idx %arg6[%get3A_574] : memref<100096xf32, #tpu.memory_space<vmem>>[vector<16xi32>], vector<16xf32>,
          %add3A_576 = arith.addf %gather3A_565, %gather3A_575 : vector<16xf32>
          %get3A_577 = arith.constant 3 : i32
          %get3A_578 = arith.index_cast %get3A_577 : i32 to index
          %get3A_579 = arith.index_cast %mul3A_560 : i32 to index
          %get3A_580 = tpu.vector_load %arg7[%get3A_578, %get3A_579] {strides = array<i32>} : memref<20x512xi32, #tpu.memory_space<vmem>>, vector<16xi32>,
          %gather3A_581 = tpu.vector_load_idx %arg6[%get3A_580] : memref<100096xf32, #tpu.memory_space<vmem>>[vector<16xi32>], vector<16xf32>,
          %add3A_582 = arith.addf %gather3A_570, %gather3A_581 : vector<16xf32>
          %get3A_583 = arith.constant 4 : i32
          %get3A_584 = arith.index_cast %get3A_583 : i32 to index
          %get3A_585 = arith.index_cast %mul3A_560 : i32 to index
          %get3A_586 = tpu.vector_load %arg7[%get3A_584, %get3A_585] {strides = array<i32>} : memref<20x512xi32, #tpu.memory_space<vmem>>, vector<16xi32>,
          %gather3A_587 = tpu.vector_load_idx %arg6[%get3A_586] : memref<100096xf32, #tpu.memory_space<vmem>>[vector<16xi32>], vector<16xf32>,
          %add3A_588 = arith.addf %add3A_576, %gather3A_587 : vector<16xf32>
          %get3A_589 = arith.constant 5 : i32
          %get3A_590 = arith.index_cast %get3A_589 : i32 to index
          %get3A_591 = arith.index_cast %mul3A_560 : i32 to index
          %get3A_592 = tpu.vector_load %arg7[%get3A_590, %get3A_591] {strides = array<i32>} : memref<20x512xi32, #tpu.memory_space<vmem>>, vector<16xi32>,
          %gather3A_593 = tpu.vector_load_idx %arg6[%get3A_592] : memref<100096xf32, #tpu.memory_space<vmem>>[vector<16xi32>], vector<16xf32>,
          %add3A_594 = arith.addf %add3A_582, %gather3A_593 : vector<16xf32>
          %get3A_595 = arith.constant 6 : i32
          %get3A_596 = arith.index_cast %get3A_595 : i32 to index
          %get3A_597 = arith.index_cast %mul3A_560 : i32 to index
          %get3A_598 = tpu.vector_load %arg7[%get3A_596, %get3A_597] {strides = array<i32>} : memref<20x512xi32, #tpu.memory_space<vmem>>, vector<16xi32>,
          %gather3A_599 = tpu.vector_load_idx %arg6[%get3A_598] : memref<100096xf32, #tpu.memory_space<vmem>>[vector<16xi32>], vector<16xf32>,
          %add3A_600 = arith.addf %add3A_588, %gather3A_599 : vector<16xf32>
          %get3A_601 = arith.constant 7 : i32
          %get3A_602 = arith.index_cast %get3A_601 : i32 to index
          %get3A_603 = arith.index_cast %mul3A_560 : i32 to index
          %get3A_604 = tpu.vector_load %arg7[%get3A_602, %get3A_603] {strides = array<i32>} : memref<20x512xi32, #tpu.memory_space<vmem>>, vector<16xi32>,
          %gather3A_605 = tpu.vector_load_idx %arg6[%get3A_604] : memref<100096xf32, #tpu.memory_space<vmem>>[vector<16xi32>], vector<16xf32>,
          %add3A_606 = arith.addf %add3A_594, %gather3A_605 : vector<16xf32>
          %get3A_607 = arith.constant 8 : i32
          %get3A_608 = arith.index_cast %get3A_607 : i32 to index
          %get3A_609 = arith.index_cast %mul3A_560 : i32 to index
          %get3A_610 = tpu.vector_load %arg7[%get3A_608, %get3A_609] {strides = array<i32>} : memref<20x512xi32, #tpu.memory_space<vmem>>, vector<16xi32>,
          %gather3A_611 = tpu.vector_load_idx %arg6[%get3A_610] : memref<100096xf32, #tpu.memory_space<vmem>>[vector<16xi32>], vector<16xf32>,
          %add3A_612 = arith.addf %add3A_600, %gather3A_611 : vector<16xf32>
          %get3A_613 = arith.constant 9 : i32
          %get3A_614 = arith.index_cast %get3A_613 : i32 to index
          %get3A_615 = arith.index_cast %mul3A_560 : i32 to index
          %get3A_616 = tpu.vector_load %arg7[%get3A_614, %get3A_615] {strides = array<i32>} : memref<20x512xi32, #tpu.memory_space<vmem>>, vector<16xi32>,
          %gather3A_617 = tpu.vector_load_idx %arg6[%get3A_616] : memref<100096xf32, #tpu.memory_space<vmem>>[vector<16xi32>], vector<16xf32>,
          %add3A_618 = arith.addf %add3A_606, %gather3A_617 : vector<16xf32>
          %get3A_619 = arith.constant 10 : i32
          %get3A_620 = arith.index_cast %get3A_619 : i32 to index
          %get3A_621 = arith.index_cast %mul3A_560 : i32 to index
          %get3A_622 = tpu.vector_load %arg7[%get3A_620, %get3A_621] {strides = array<i32>} : memref<20x512xi32, #tpu.memory_space<vmem>>, vector<16xi32>,
          %gather3A_623 = tpu.vector_load_idx %arg6[%get3A_622] : memref<100096xf32, #tpu.memory_space<vmem>>[vector<16xi32>], vector<16xf32>,
          %add3A_624 = arith.addf %add3A_612, %gather3A_623 : vector<16xf32>
          %get3A_625 = arith.constant 11 : i32
          %get3A_626 = arith.index_cast %get3A_625 : i32 to index
          %get3A_627 = arith.index_cast %mul3A_560 : i32 to index
          %get3A_628 = tpu.vector_load %arg7[%get3A_626, %get3A_627] {strides = array<i32>} : memref<20x512xi32, #tpu.memory_space<vmem>>, vector<16xi32>,
          %gather3A_629 = tpu.vector_load_idx %arg6[%get3A_628] : memref<100096xf32, #tpu.memory_space<vmem>>[vector<16xi32>], vector<16xf32>,
          %add3A_630 = arith.addf %add3A_618, %gather3A_629 : vector<16xf32>
          %get3A_631 = arith.constant 12 : i32
          %get3A_632 = arith.index_cast %get3A_631 : i32 to index
          %get3A_633 = arith.index_cast %mul3A_560 : i32 to index
          %get3A_634 = tpu.vector_load %arg7[%get3A_632, %get3A_633] {strides = array<i32>} : memref<20x512xi32, #tpu.memory_space<vmem>>, vector<16xi32>,
          %gather3A_635 = tpu.vector_load_idx %arg6[%get3A_634] : memref<100096xf32, #tpu.memory_space<vmem>>[vector<16xi32>], vector<16xf32>,
          %add3A_636 = arith.addf %add3A_624, %gather3A_635 : vector<16xf32>
          %get3A_637 = arith.constant 13 : i32
          %get3A_638 = arith.index_cast %get3A_637 : i32 to index
          %get3A_639 = arith.index_cast %mul3A_560 : i32 to index
          %get3A_640 = tpu.vector_load %arg7[%get3A_638, %get3A_639] {strides = array<i32>} : memref<20x512xi32, #tpu.memory_space<vmem>>, vector<16xi32>,
          %gather3A_641 = tpu.vector_load_idx %arg6[%get3A_640] : memref<100096xf32, #tpu.memory_space<vmem>>[vector<16xi32>], vector<16xf32>,
          %add3A_642 = arith.addf %add3A_630, %gather3A_641 : vector<16xf32>
          %get3A_643 = arith.constant 14 : i32
          %get3A_644 = arith.index_cast %get3A_643 : i32 to index
          %get3A_645 = arith.index_cast %mul3A_560 : i32 to index
          %get3A_646 = tpu.vector_load %arg7[%get3A_644, %get3A_645] {strides = array<i32>} : memref<20x512xi32, #tpu.memory_space<vmem>>, vector<16xi32>,
          %gather3A_647 = tpu.vector_load_idx %arg6[%get3A_646] : memref<100096xf32, #tpu.memory_space<vmem>>[vector<16xi32>], vector<16xf32>,
          %add3A_648 = arith.addf %add3A_636, %gather3A_647 : vector<16xf32>
          %get3A_649 = arith.constant 15 : i32
          %get3A_650 = arith.index_cast %get3A_649 : i32 to index
          %get3A_651 = arith.index_cast %mul3A_560 : i32 to index
          %get3A_652 = tpu.vector_load %arg7[%get3A_650, %get3A_651] {strides = array<i32>} : memref<20x512xi32, #tpu.memory_space<vmem>>, vector<16xi32>,
          %gather3A_653 = tpu.vector_load_idx %arg6[%get3A_652] : memref<100096xf32, #tpu.memory_space<vmem>>[vector<16xi32>], vector<16xf32>,
          %add3A_654 = arith.addf %add3A_642, %gather3A_653 : vector<16xf32>
          %get3A_655 = arith.constant 16 : i32
          %get3A_656 = arith.index_cast %get3A_655 : i32 to index
          %get3A_657 = arith.index_cast %mul3A_560 : i32 to index
          %get3A_658 = tpu.vector_load %arg7[%get3A_656, %get3A_657] {strides = array<i32>} : memref<20x512xi32, #tpu.memory_space<vmem>>, vector<16xi32>,
          %gather3A_659 = tpu.vector_load_idx %arg6[%get3A_658] : memref<100096xf32, #tpu.memory_space<vmem>>[vector<16xi32>], vector<16xf32>,
          %add3A_660 = arith.addf %add3A_648, %gather3A_659 : vector<16xf32>
          %get3A_661 = arith.constant 17 : i32
          %get3A_662 = arith.index_cast %get3A_661 : i32 to index
          %get3A_663 = arith.index_cast %mul3A_560 : i32 to index
          %get3A_664 = tpu.vector_load %arg7[%get3A_662, %get3A_663] {strides = array<i32>} : memref<20x512xi32, #tpu.memory_space<vmem>>, vector<16xi32>,
          %gather3A_665 = tpu.vector_load_idx %arg6[%get3A_664] : memref<100096xf32, #tpu.memory_space<vmem>>[vector<16xi32>], vector<16xf32>,
          %add3A_666 = arith.addf %add3A_654, %gather3A_665 : vector<16xf32>
          %get3A_667 = arith.constant 18 : i32
          %get3A_668 = arith.index_cast %get3A_667 : i32 to index
          %get3A_669 = arith.index_cast %mul3A_560 : i32 to index
          %get3A_670 = tpu.vector_load %arg7[%get3A_668, %get3A_669] {strides = array<i32>} : memref<20x512xi32, #tpu.memory_space<vmem>>, vector<16xi32>,
          %gather3A_671 = tpu.vector_load_idx %arg6[%get3A_670] : memref<100096xf32, #tpu.memory_space<vmem>>[vector<16xi32>], vector<16xf32>,
          %add3A_672 = arith.addf %add3A_660, %gather3A_671 : vector<16xf32>
          %get3A_673 = arith.constant 19 : i32
          %get3A_674 = arith.index_cast %get3A_673 : i32 to index
          %get3A_675 = arith.index_cast %mul3A_560 : i32 to index
          %get3A_676 = tpu.vector_load %arg7[%get3A_674, %get3A_675] {strides = array<i32>} : memref<20x512xi32, #tpu.memory_space<vmem>>, vector<16xi32>,
          %gather3A_677 = tpu.vector_load_idx %arg6[%get3A_676] : memref<100096xf32, #tpu.memory_space<vmem>>[vector<16xi32>], vector<16xf32>,
          %add3A_678 = arith.addf %add3A_666, %gather3A_677 : vector<16xf32>
          %add3A_679 = arith.addf %add3A_672, %add3A_678 : vector<16xf32>
          %mul3A_680 = arith.constant 512 : i32
          %mul3A_681 = arith.muli %add3A_254, %mul3A_680 : i32
          %add3A_682 = arith.addi %mul3A_681, %mul3A_560 : i32
          %swap3A_683 = arith.index_cast %add3A_682 : i32 to index
          %swap3A_684 = tpu.vector_load %arg9[%swap3A_683] {strides = array<i32>} : memref<4096xf32, #tpu.memory_space<vmem>>, vector<16xf32>,
          tpu.vector_store %arg9[%swap3A_683], %add3A_679 {strides = array<i32>} : memref<4096xf32, #tpu.memory_space<vmem>>, vector<16xf32>,
          %scan3A_685 = arith.constant 3 : i32
          %scan3A_686 = arith.addi %scan3A_305, %scan3A_685 : i32
          %mul3A_687 = arith.constant 16 : i32
          %mul3A_688 = arith.muli %scan3A_686, %mul3A_687 : i32
          %get3A_689 = arith.constant 0 : i32
          %get3A_690 = arith.index_cast %get3A_689 : i32 to index
          %get3A_691 = arith.index_cast %mul3A_688 : i32 to index
          %get3A_692 = tpu.vector_load %arg7[%get3A_690, %get3A_691] {strides = array<i32>} : memref<20x512xi32, #tpu.memory_space<vmem>>, vector<16xi32>,
          %gather3A_693 = tpu.vector_load_idx %arg6[%get3A_692] : memref<100096xf32, #tpu.memory_space<vmem>>[vector<16xi32>], vector<16xf32>,
          %get3A_694 = arith.constant 1 : i32
          %get3A_695 = arith.index_cast %get3A_694 : i32 to index
          %get3A_696 = arith.index_cast %mul3A_688 : i32 to index
          %get3A_697 = tpu.vector_load %arg7[%get3A_695, %get3A_696] {strides = array<i32>} : memref<20x512xi32, #tpu.memory_space<vmem>>, vector<16xi32>,
          %gather3A_698 = tpu.vector_load_idx %arg6[%get3A_697] : memref<100096xf32, #tpu.memory_space<vmem>>[vector<16xi32>], vector<16xf32>,
          %get3A_699 = arith.constant 2 : i32
          %get3A_700 = arith.index_cast %get3A_699 : i32 to index
          %get3A_701 = arith.index_cast %mul3A_688 : i32 to index
          %get3A_702 = tpu.vector_load %arg7[%get3A_700, %get3A_701] {strides = array<i32>} : memref<20x512xi32, #tpu.memory_space<vmem>>, vector<16xi32>,
          %gather3A_703 = tpu.vector_load_idx %arg6[%get3A_702] : memref<100096xf32, #tpu.memory_space<vmem>>[vector<16xi32>], vector<16xf32>,
          %add3A_704 = arith.addf %gather3A_693, %gather3A_703 : vector<16xf32>
          %get3A_705 = arith.constant 3 : i32
          %get3A_706 = arith.index_cast %get3A_705 : i32 to index
          %get3A_707 = arith.index_cast %mul3A_688 : i32 to index
          %get3A_708 = tpu.vector_load %arg7[%get3A_706, %get3A_707] {strides = array<i32>} : memref<20x512xi32, #tpu.memory_space<vmem>>, vector<16xi32>,
          %gather3A_709 = tpu.vector_load_idx %arg6[%get3A_708] : memref<100096xf32, #tpu.memory_space<vmem>>[vector<16xi32>], vector<16xf32>,
          %add3A_710 = arith.addf %gather3A_698, %gather3A_709 : vector<16xf32>
          %get3A_711 = arith.constant 4 : i32
          %get3A_712 = arith.index_cast %get3A_711 : i32 to index
          %get3A_713 = arith.index_cast %mul3A_688 : i32 to index
          %get3A_714 = tpu.vector_load %arg7[%get3A_712, %get3A_713] {strides = array<i32>} : memref<20x512xi32, #tpu.memory_space<vmem>>, vector<16xi32>,
          %gather3A_715 = tpu.vector_load_idx %arg6[%get3A_714] : memref<100096xf32, #tpu.memory_space<vmem>>[vector<16xi32>], vector<16xf32>,
          %add3A_716 = arith.addf %add3A_704, %gather3A_715 : vector<16xf32>
          %get3A_717 = arith.constant 5 : i32
          %get3A_718 = arith.index_cast %get3A_717 : i32 to index
          %get3A_719 = arith.index_cast %mul3A_688 : i32 to index
          %get3A_720 = tpu.vector_load %arg7[%get3A_718, %get3A_719] {strides = array<i32>} : memref<20x512xi32, #tpu.memory_space<vmem>>, vector<16xi32>,
          %gather3A_721 = tpu.vector_load_idx %arg6[%get3A_720] : memref<100096xf32, #tpu.memory_space<vmem>>[vector<16xi32>], vector<16xf32>,
          %add3A_722 = arith.addf %add3A_710, %gather3A_721 : vector<16xf32>
          %get3A_723 = arith.constant 6 : i32
          %get3A_724 = arith.index_cast %get3A_723 : i32 to index
          %get3A_725 = arith.index_cast %mul3A_688 : i32 to index
          %get3A_726 = tpu.vector_load %arg7[%get3A_724, %get3A_725] {strides = array<i32>} : memref<20x512xi32, #tpu.memory_space<vmem>>, vector<16xi32>,
          %gather3A_727 = tpu.vector_load_idx %arg6[%get3A_726] : memref<100096xf32, #tpu.memory_space<vmem>>[vector<16xi32>], vector<16xf32>,
          %add3A_728 = arith.addf %add3A_716, %gather3A_727 : vector<16xf32>
          %get3A_729 = arith.constant 7 : i32
          %get3A_730 = arith.index_cast %get3A_729 : i32 to index
          %get3A_731 = arith.index_cast %mul3A_688 : i32 to index
          %get3A_732 = tpu.vector_load %arg7[%get3A_730, %get3A_731] {strides = array<i32>} : memref<20x512xi32, #tpu.memory_space<vmem>>, vector<16xi32>,
          %gather3A_733 = tpu.vector_load_idx %arg6[%get3A_732] : memref<100096xf32, #tpu.memory_space<vmem>>[vector<16xi32>], vector<16xf32>,
          %add3A_734 = arith.addf %add3A_722, %gather3A_733 : vector<16xf32>
          %get3A_735 = arith.constant 8 : i32
          %get3A_736 = arith.index_cast %get3A_735 : i32 to index
          %get3A_737 = arith.index_cast %mul3A_688 : i32 to index
          %get3A_738 = tpu.vector_load %arg7[%get3A_736, %get3A_737] {strides = array<i32>} : memref<20x512xi32, #tpu.memory_space<vmem>>, vector<16xi32>,
          %gather3A_739 = tpu.vector_load_idx %arg6[%get3A_738] : memref<100096xf32, #tpu.memory_space<vmem>>[vector<16xi32>], vector<16xf32>,
          %add3A_740 = arith.addf %add3A_728, %gather3A_739 : vector<16xf32>
          %get3A_741 = arith.constant 9 : i32
          %get3A_742 = arith.index_cast %get3A_741 : i32 to index
          %get3A_743 = arith.index_cast %mul3A_688 : i32 to index
          %get3A_744 = tpu.vector_load %arg7[%get3A_742, %get3A_743] {strides = array<i32>} : memref<20x512xi32, #tpu.memory_space<vmem>>, vector<16xi32>,
          %gather3A_745 = tpu.vector_load_idx %arg6[%get3A_744] : memref<100096xf32, #tpu.memory_space<vmem>>[vector<16xi32>], vector<16xf32>,
          %add3A_746 = arith.addf %add3A_734, %gather3A_745 : vector<16xf32>
          %get3A_747 = arith.constant 10 : i32
          %get3A_748 = arith.index_cast %get3A_747 : i32 to index
          %get3A_749 = arith.index_cast %mul3A_688 : i32 to index
          %get3A_750 = tpu.vector_load %arg7[%get3A_748, %get3A_749] {strides = array<i32>} : memref<20x512xi32, #tpu.memory_space<vmem>>, vector<16xi32>,
          %gather3A_751 = tpu.vector_load_idx %arg6[%get3A_750] : memref<100096xf32, #tpu.memory_space<vmem>>[vector<16xi32>], vector<16xf32>,
          %add3A_752 = arith.addf %add3A_740, %gather3A_751 : vector<16xf32>
          %get3A_753 = arith.constant 11 : i32
          %get3A_754 = arith.index_cast %get3A_753 : i32 to index
          %get3A_755 = arith.index_cast %mul3A_688 : i32 to index
          %get3A_756 = tpu.vector_load %arg7[%get3A_754, %get3A_755] {strides = array<i32>} : memref<20x512xi32, #tpu.memory_space<vmem>>, vector<16xi32>,
          %gather3A_757 = tpu.vector_load_idx %arg6[%get3A_756] : memref<100096xf32, #tpu.memory_space<vmem>>[vector<16xi32>], vector<16xf32>,
          %add3A_758 = arith.addf %add3A_746, %gather3A_757 : vector<16xf32>
          %get3A_759 = arith.constant 12 : i32
          %get3A_760 = arith.index_cast %get3A_759 : i32 to index
          %get3A_761 = arith.index_cast %mul3A_688 : i32 to index
          %get3A_762 = tpu.vector_load %arg7[%get3A_760, %get3A_761] {strides = array<i32>} : memref<20x512xi32, #tpu.memory_space<vmem>>, vector<16xi32>,
          %gather3A_763 = tpu.vector_load_idx %arg6[%get3A_762] : memref<100096xf32, #tpu.memory_space<vmem>>[vector<16xi32>], vector<16xf32>,
          %add3A_764 = arith.addf %add3A_752, %gather3A_763 : vector<16xf32>
          %get3A_765 = arith.constant 13 : i32
          %get3A_766 = arith.index_cast %get3A_765 : i32 to index
          %get3A_767 = arith.index_cast %mul3A_688 : i32 to index
          %get3A_768 = tpu.vector_load %arg7[%get3A_766, %get3A_767] {strides = array<i32>} : memref<20x512xi32, #tpu.memory_space<vmem>>, vector<16xi32>,
          %gather3A_769 = tpu.vector_load_idx %arg6[%get3A_768] : memref<100096xf32, #tpu.memory_space<vmem>>[vector<16xi32>], vector<16xf32>,
          %add3A_770 = arith.addf %add3A_758, %gather3A_769 : vector<16xf32>
          %get3A_771 = arith.constant 14 : i32
          %get3A_772 = arith.index_cast %get3A_771 : i32 to index
          %get3A_773 = arith.index_cast %mul3A_688 : i32 to index
          %get3A_774 = tpu.vector_load %arg7[%get3A_772, %get3A_773] {strides = array<i32>} : memref<20x512xi32, #tpu.memory_space<vmem>>, vector<16xi32>,
          %gather3A_775 = tpu.vector_load_idx %arg6[%get3A_774] : memref<100096xf32, #tpu.memory_space<vmem>>[vector<16xi32>], vector<16xf32>,
          %add3A_776 = arith.addf %add3A_764, %gather3A_775 : vector<16xf32>
          %get3A_777 = arith.constant 15 : i32
          %get3A_778 = arith.index_cast %get3A_777 : i32 to index
          %get3A_779 = arith.index_cast %mul3A_688 : i32 to index
          %get3A_780 = tpu.vector_load %arg7[%get3A_778, %get3A_779] {strides = array<i32>} : memref<20x512xi32, #tpu.memory_space<vmem>>, vector<16xi32>,
          %gather3A_781 = tpu.vector_load_idx %arg6[%get3A_780] : memref<100096xf32, #tpu.memory_space<vmem>>[vector<16xi32>], vector<16xf32>,
          %add3A_782 = arith.addf %add3A_770, %gather3A_781 : vector<16xf32>
          %get3A_783 = arith.constant 16 : i32
          %get3A_784 = arith.index_cast %get3A_783 : i32 to index
          %get3A_785 = arith.index_cast %mul3A_688 : i32 to index
          %get3A_786 = tpu.vector_load %arg7[%get3A_784, %get3A_785] {strides = array<i32>} : memref<20x512xi32, #tpu.memory_space<vmem>>, vector<16xi32>,
          %gather3A_787 = tpu.vector_load_idx %arg6[%get3A_786] : memref<100096xf32, #tpu.memory_space<vmem>>[vector<16xi32>], vector<16xf32>,
          %add3A_788 = arith.addf %add3A_776, %gather3A_787 : vector<16xf32>
          %get3A_789 = arith.constant 17 : i32
          %get3A_790 = arith.index_cast %get3A_789 : i32 to index
          %get3A_791 = arith.index_cast %mul3A_688 : i32 to index
          %get3A_792 = tpu.vector_load %arg7[%get3A_790, %get3A_791] {strides = array<i32>} : memref<20x512xi32, #tpu.memory_space<vmem>>, vector<16xi32>,
          %gather3A_793 = tpu.vector_load_idx %arg6[%get3A_792] : memref<100096xf32, #tpu.memory_space<vmem>>[vector<16xi32>], vector<16xf32>,
          %add3A_794 = arith.addf %add3A_782, %gather3A_793 : vector<16xf32>
          %get3A_795 = arith.constant 18 : i32
          %get3A_796 = arith.index_cast %get3A_795 : i32 to index
          %get3A_797 = arith.index_cast %mul3A_688 : i32 to index
          %get3A_798 = tpu.vector_load %arg7[%get3A_796, %get3A_797] {strides = array<i32>} : memref<20x512xi32, #tpu.memory_space<vmem>>, vector<16xi32>,
          %gather3A_799 = tpu.vector_load_idx %arg6[%get3A_798] : memref<100096xf32, #tpu.memory_space<vmem>>[vector<16xi32>], vector<16xf32>,
          %add3A_800 = arith.addf %add3A_788, %gather3A_799 : vector<16xf32>
          %get3A_801 = arith.constant 19 : i32
          %get3A_802 = arith.index_cast %get3A_801 : i32 to index
          %get3A_803 = arith.index_cast %mul3A_688 : i32 to index
          %get3A_804 = tpu.vector_load %arg7[%get3A_802, %get3A_803] {strides = array<i32>} : memref<20x512xi32, #tpu.memory_space<vmem>>, vector<16xi32>,
          %gather3A_805 = tpu.vector_load_idx %arg6[%get3A_804] : memref<100096xf32, #tpu.memory_space<vmem>>[vector<16xi32>], vector<16xf32>,
          %add3A_806 = arith.addf %add3A_794, %gather3A_805 : vector<16xf32>
          %add3A_807 = arith.addf %add3A_800, %add3A_806 : vector<16xf32>
          %mul3A_808 = arith.constant 512 : i32
          %mul3A_809 = arith.muli %add3A_254, %mul3A_808 : i32
          %add3A_810 = arith.addi %mul3A_809, %mul3A_688 : i32
          %swap3A_811 = arith.index_cast %add3A_810 : i32 to index
          %swap3A_812 = tpu.vector_load %arg9[%swap3A_811] {strides = array<i32>} : memref<4096xf32, #tpu.memory_space<vmem>>, vector<16xf32>,
          tpu.vector_store %arg9[%swap3A_811], %add3A_807 {strides = array<i32>} : memref<4096xf32, #tpu.memory_space<vmem>>, vector<16xf32>,
        }
        %scan3A_278 = arith.constant 32 : i32
        %mul3A_279 = arith.constant 2 : i32
        %mul3A_280 = arith.muli %mul3A_279, %scan3A_250 : i32
        %add3A_281 = arith.constant 1 : i32
        %add3A_282 = arith.addi %mul3A_280, %add3A_281 : i32
        %lt3A = arith.constant 3 : i32
        %lt3A_283 = arith.cmpi slt, %scan3A_250, %lt3A : i32
        %convert_element_type3A_284 = arith.extui %lt3A_283 : i1 to i32
        %cond3A_285 = arith.constant 0 : i32
        %cond3A_286 = arith.cmpi ne, %convert_element_type3A_284, %cond3A_285 : i32
        scf.if %cond3A_286 {
          %add3A_305 = arith.constant 1 : i32
          %add3A_306 = arith.addi %add3A_282, %add3A_305 : i32
          %mul3A_307 = arith.constant 512 : i32
          %mul3A_308 = arith.muli %add3A_306, %mul3A_307 : i32
          %dma_start3A_309 = arith.constant 0 : i32
          %dma_start3A_310 = tpu.memref_slice %arg4[%select_n3A_104, %dma_start3A_309, %mul3A_308] : memref<26x20x4096xi32, #tpu.memory_space<hbm>> -> memref<1x20x512xi32, #tpu.memory_space<hbm>>
          %dma_start3A_311 = tpu.memref_squeeze %dma_start3A_310 : memref<1x20x512xi32, #tpu.memory_space<hbm>> -> memref<20x512xi32, #tpu.memory_space<hbm>>
          %dma_start3A_312 = arith.constant 0 : i32
          %dma_start3A_313 = tpu.memref_slice %arg4[%select_n3A_104, %dma_start3A_312, %mul3A_308] : memref<26x20x4096xi32, #tpu.memory_space<hbm>> -> memref<1x20x512xi32, #tpu.memory_space<hbm>>
          %dma_start3A_314 = tpu.memref_squeeze %dma_start3A_313 : memref<1x20x512xi32, #tpu.memory_space<hbm>> -> memref<20x512xi32, #tpu.memory_space<hbm>>
          tpu.enqueue_dma source(%dma_start3A_314 : memref<20x512xi32, #tpu.memory_space<hbm>>) target(%arg7 : memref<20x512xi32, #tpu.memory_space<vmem>>) target_semaphore(%arg11 : memref<!tpu.dma_semaphore, #tpu.memory_space<semaphore_mem>>)
        } else {
        }
        %eq3A = arith.constant 3 : i32
        %eq3A_287 = arith.cmpi eq, %scan3A_250, %eq3A : i32
        %convert_element_type3A_288 = arith.extui %eq3A_287 : i1 to i32
        %cond3A_289 = arith.constant 0 : i32
        %cond3A_290 = arith.cmpi ne, %convert_element_type3A_288, %cond3A_289 : i32
        scf.if %cond3A_290 {
          %dma_start3A_305 = arith.constant 0 : i32
          %dma_start3A_306 = arith.constant 0 : i32
          %dma_start3A_307 = tpu.memref_slice %arg4[%min3A_237, %dma_start3A_305, %dma_start3A_306] : memref<26x20x4096xi32, #tpu.memory_space<hbm>> -> memref<1x20x512xi32, #tpu.memory_space<hbm>>
          %dma_start3A_308 = tpu.memref_squeeze %dma_start3A_307 : memref<1x20x512xi32, #tpu.memory_space<hbm>> -> memref<20x512xi32, #tpu.memory_space<hbm>>
          %dma_start3A_309 = arith.constant 0 : i32
          %dma_start3A_310 = arith.constant 0 : i32
          %dma_start3A_311 = tpu.memref_slice %arg4[%min3A_237, %dma_start3A_309, %dma_start3A_310] : memref<26x20x4096xi32, #tpu.memory_space<hbm>> -> memref<1x20x512xi32, #tpu.memory_space<hbm>>
          %dma_start3A_312 = tpu.memref_squeeze %dma_start3A_311 : memref<1x20x512xi32, #tpu.memory_space<hbm>> -> memref<20x512xi32, #tpu.memory_space<hbm>>
          tpu.enqueue_dma source(%dma_start3A_312 : memref<20x512xi32, #tpu.memory_space<hbm>>) target(%arg7 : memref<20x512xi32, #tpu.memory_space<vmem>>) target_semaphore(%arg11 : memref<!tpu.dma_semaphore, #tpu.memory_space<semaphore_mem>>)
        } else {
        }
        %mul3A_291 = arith.constant 512 : i32
        %mul3A_292 = arith.muli %add3A_282, %mul3A_291 : i32
        %dma_wait3A_293 = arith.constant 0 : i32
        %dma_wait3A_294 = tpu.memref_slice %arg4[%select_n3A_104, %dma_wait3A_293, %mul3A_292] : memref<26x20x4096xi32, #tpu.memory_space<hbm>> -> memref<1x20x512xi32, #tpu.memory_space<hbm>>
        %dma_wait3A_295 = tpu.memref_squeeze %dma_wait3A_294 : memref<1x20x512xi32, #tpu.memory_space<hbm>> -> memref<20x512xi32, #tpu.memory_space<hbm>>
        %dma_wait3A_296 = arith.constant 0 : i32
        %dma_wait3A_297 = tpu.memref_slice %arg4[%select_n3A_104, %dma_wait3A_296, %mul3A_292] : memref<26x20x4096xi32, #tpu.memory_space<hbm>> -> memref<1x20x512xi32, #tpu.memory_space<hbm>>
        %dma_wait3A_298 = tpu.memref_squeeze %dma_wait3A_297 : memref<1x20x512xi32, #tpu.memory_space<hbm>> -> memref<20x512xi32, #tpu.memory_space<hbm>>
        tpu.wait_dma2 semaphore(%arg12 : memref<!tpu.dma_semaphore, #tpu.memory_space<semaphore_mem>>) src(%dma_wait3A_298 : memref<20x512xi32, #tpu.memory_space<hbm>>) dst(%arg8 : memref<20x512xi32, #tpu.memory_space<vmem>>)
        %scan3A_299 = arith.constant 0 : i32
        %scan3A_300 = arith.constant 0 : i32
        %scan3A_301 = arith.constant 32 : i32
        %scan3A_302 = arith.addi %scan3A_300, %scan3A_301 : i32
        %scan3A_303 = arith.constant 4 : i32
        scf.for %scan3A_305 = %scan3A_300 to %scan3A_302 step %scan3A_303  : i32 {
          %mul3A_306 = arith.constant 16 : i32
          %mul3A_307 = arith.muli %scan3A_305, %mul3A_306 : i32
          %get3A = arith.constant 0 : i32
          %get3A_308 = arith.index_cast %get3A : i32 to index
          %get3A_309 = arith.index_cast %mul3A_307 : i32 to index
          %get3A_310 = tpu.vector_load %arg8[%get3A_308, %get3A_309] {strides = array<i32>} : memref<20x512xi32, #tpu.memory_space<vmem>>, vector<16xi32>,
          %gather3A = tpu.vector_load_idx %arg6[%get3A_310] : memref<100096xf32, #tpu.memory_space<vmem>>[vector<16xi32>], vector<16xf32>,
          %get3A_311 = arith.constant 1 : i32
          %get3A_312 = arith.index_cast %get3A_311 : i32 to index
          %get3A_313 = arith.index_cast %mul3A_307 : i32 to index
          %get3A_314 = tpu.vector_load %arg8[%get3A_312, %get3A_313] {strides = array<i32>} : memref<20x512xi32, #tpu.memory_space<vmem>>, vector<16xi32>,
          %gather3A_315 = tpu.vector_load_idx %arg6[%get3A_314] : memref<100096xf32, #tpu.memory_space<vmem>>[vector<16xi32>], vector<16xf32>,
          %get3A_316 = arith.constant 2 : i32
          %get3A_317 = arith.index_cast %get3A_316 : i32 to index
          %get3A_318 = arith.index_cast %mul3A_307 : i32 to index
          %get3A_319 = tpu.vector_load %arg8[%get3A_317, %get3A_318] {strides = array<i32>} : memref<20x512xi32, #tpu.memory_space<vmem>>, vector<16xi32>,
          %gather3A_320 = tpu.vector_load_idx %arg6[%get3A_319] : memref<100096xf32, #tpu.memory_space<vmem>>[vector<16xi32>], vector<16xf32>,
          %add3A_321 = arith.addf %gather3A, %gather3A_320 : vector<16xf32>
          %get3A_322 = arith.constant 3 : i32
          %get3A_323 = arith.index_cast %get3A_322 : i32 to index
          %get3A_324 = arith.index_cast %mul3A_307 : i32 to index
          %get3A_325 = tpu.vector_load %arg8[%get3A_323, %get3A_324] {strides = array<i32>} : memref<20x512xi32, #tpu.memory_space<vmem>>, vector<16xi32>,
          %gather3A_326 = tpu.vector_load_idx %arg6[%get3A_325] : memref<100096xf32, #tpu.memory_space<vmem>>[vector<16xi32>], vector<16xf32>,
          %add3A_327 = arith.addf %gather3A_315, %gather3A_326 : vector<16xf32>
          %get3A_328 = arith.constant 4 : i32
          %get3A_329 = arith.index_cast %get3A_328 : i32 to index
          %get3A_330 = arith.index_cast %mul3A_307 : i32 to index
          %get3A_331 = tpu.vector_load %arg8[%get3A_329, %get3A_330] {strides = array<i32>} : memref<20x512xi32, #tpu.memory_space<vmem>>, vector<16xi32>,
          %gather3A_332 = tpu.vector_load_idx %arg6[%get3A_331] : memref<100096xf32, #tpu.memory_space<vmem>>[vector<16xi32>], vector<16xf32>,
          %add3A_333 = arith.addf %add3A_321, %gather3A_332 : vector<16xf32>
          %get3A_334 = arith.constant 5 : i32
          %get3A_335 = arith.index_cast %get3A_334 : i32 to index
          %get3A_336 = arith.index_cast %mul3A_307 : i32 to index
          %get3A_337 = tpu.vector_load %arg8[%get3A_335, %get3A_336] {strides = array<i32>} : memref<20x512xi32, #tpu.memory_space<vmem>>, vector<16xi32>,
          %gather3A_338 = tpu.vector_load_idx %arg6[%get3A_337] : memref<100096xf32, #tpu.memory_space<vmem>>[vector<16xi32>], vector<16xf32>,
          %add3A_339 = arith.addf %add3A_327, %gather3A_338 : vector<16xf32>
          %get3A_340 = arith.constant 6 : i32
          %get3A_341 = arith.index_cast %get3A_340 : i32 to index
          %get3A_342 = arith.index_cast %mul3A_307 : i32 to index
          %get3A_343 = tpu.vector_load %arg8[%get3A_341, %get3A_342] {strides = array<i32>} : memref<20x512xi32, #tpu.memory_space<vmem>>, vector<16xi32>,
          %gather3A_344 = tpu.vector_load_idx %arg6[%get3A_343] : memref<100096xf32, #tpu.memory_space<vmem>>[vector<16xi32>], vector<16xf32>,
          %add3A_345 = arith.addf %add3A_333, %gather3A_344 : vector<16xf32>
          %get3A_346 = arith.constant 7 : i32
          %get3A_347 = arith.index_cast %get3A_346 : i32 to index
          %get3A_348 = arith.index_cast %mul3A_307 : i32 to index
          %get3A_349 = tpu.vector_load %arg8[%get3A_347, %get3A_348] {strides = array<i32>} : memref<20x512xi32, #tpu.memory_space<vmem>>, vector<16xi32>,
          %gather3A_350 = tpu.vector_load_idx %arg6[%get3A_349] : memref<100096xf32, #tpu.memory_space<vmem>>[vector<16xi32>], vector<16xf32>,
          %add3A_351 = arith.addf %add3A_339, %gather3A_350 : vector<16xf32>
          %get3A_352 = arith.constant 8 : i32
          %get3A_353 = arith.index_cast %get3A_352 : i32 to index
          %get3A_354 = arith.index_cast %mul3A_307 : i32 to index
          %get3A_355 = tpu.vector_load %arg8[%get3A_353, %get3A_354] {strides = array<i32>} : memref<20x512xi32, #tpu.memory_space<vmem>>, vector<16xi32>,
          %gather3A_356 = tpu.vector_load_idx %arg6[%get3A_355] : memref<100096xf32, #tpu.memory_space<vmem>>[vector<16xi32>], vector<16xf32>,
          %add3A_357 = arith.addf %add3A_345, %gather3A_356 : vector<16xf32>
          %get3A_358 = arith.constant 9 : i32
          %get3A_359 = arith.index_cast %get3A_358 : i32 to index
          %get3A_360 = arith.index_cast %mul3A_307 : i32 to index
          %get3A_361 = tpu.vector_load %arg8[%get3A_359, %get3A_360] {strides = array<i32>} : memref<20x512xi32, #tpu.memory_space<vmem>>, vector<16xi32>,
          %gather3A_362 = tpu.vector_load_idx %arg6[%get3A_361] : memref<100096xf32, #tpu.memory_space<vmem>>[vector<16xi32>], vector<16xf32>,
          %add3A_363 = arith.addf %add3A_351, %gather3A_362 : vector<16xf32>
          %get3A_364 = arith.constant 10 : i32
          %get3A_365 = arith.index_cast %get3A_364 : i32 to index
          %get3A_366 = arith.index_cast %mul3A_307 : i32 to index
          %get3A_367 = tpu.vector_load %arg8[%get3A_365, %get3A_366] {strides = array<i32>} : memref<20x512xi32, #tpu.memory_space<vmem>>, vector<16xi32>,
          %gather3A_368 = tpu.vector_load_idx %arg6[%get3A_367] : memref<100096xf32, #tpu.memory_space<vmem>>[vector<16xi32>], vector<16xf32>,
          %add3A_369 = arith.addf %add3A_357, %gather3A_368 : vector<16xf32>
          %get3A_370 = arith.constant 11 : i32
          %get3A_371 = arith.index_cast %get3A_370 : i32 to index
          %get3A_372 = arith.index_cast %mul3A_307 : i32 to index
          %get3A_373 = tpu.vector_load %arg8[%get3A_371, %get3A_372] {strides = array<i32>} : memref<20x512xi32, #tpu.memory_space<vmem>>, vector<16xi32>,
          %gather3A_374 = tpu.vector_load_idx %arg6[%get3A_373] : memref<100096xf32, #tpu.memory_space<vmem>>[vector<16xi32>], vector<16xf32>,
          %add3A_375 = arith.addf %add3A_363, %gather3A_374 : vector<16xf32>
          %get3A_376 = arith.constant 12 : i32
          %get3A_377 = arith.index_cast %get3A_376 : i32 to index
          %get3A_378 = arith.index_cast %mul3A_307 : i32 to index
          %get3A_379 = tpu.vector_load %arg8[%get3A_377, %get3A_378] {strides = array<i32>} : memref<20x512xi32, #tpu.memory_space<vmem>>, vector<16xi32>,
          %gather3A_380 = tpu.vector_load_idx %arg6[%get3A_379] : memref<100096xf32, #tpu.memory_space<vmem>>[vector<16xi32>], vector<16xf32>,
          %add3A_381 = arith.addf %add3A_369, %gather3A_380 : vector<16xf32>
          %get3A_382 = arith.constant 13 : i32
          %get3A_383 = arith.index_cast %get3A_382 : i32 to index
          %get3A_384 = arith.index_cast %mul3A_307 : i32 to index
          %get3A_385 = tpu.vector_load %arg8[%get3A_383, %get3A_384] {strides = array<i32>} : memref<20x512xi32, #tpu.memory_space<vmem>>, vector<16xi32>,
          %gather3A_386 = tpu.vector_load_idx %arg6[%get3A_385] : memref<100096xf32, #tpu.memory_space<vmem>>[vector<16xi32>], vector<16xf32>,
          %add3A_387 = arith.addf %add3A_375, %gather3A_386 : vector<16xf32>
          %get3A_388 = arith.constant 14 : i32
          %get3A_389 = arith.index_cast %get3A_388 : i32 to index
          %get3A_390 = arith.index_cast %mul3A_307 : i32 to index
          %get3A_391 = tpu.vector_load %arg8[%get3A_389, %get3A_390] {strides = array<i32>} : memref<20x512xi32, #tpu.memory_space<vmem>>, vector<16xi32>,
          %gather3A_392 = tpu.vector_load_idx %arg6[%get3A_391] : memref<100096xf32, #tpu.memory_space<vmem>>[vector<16xi32>], vector<16xf32>,
          %add3A_393 = arith.addf %add3A_381, %gather3A_392 : vector<16xf32>
          %get3A_394 = arith.constant 15 : i32
          %get3A_395 = arith.index_cast %get3A_394 : i32 to index
          %get3A_396 = arith.index_cast %mul3A_307 : i32 to index
          %get3A_397 = tpu.vector_load %arg8[%get3A_395, %get3A_396] {strides = array<i32>} : memref<20x512xi32, #tpu.memory_space<vmem>>, vector<16xi32>,
          %gather3A_398 = tpu.vector_load_idx %arg6[%get3A_397] : memref<100096xf32, #tpu.memory_space<vmem>>[vector<16xi32>], vector<16xf32>,
          %add3A_399 = arith.addf %add3A_387, %gather3A_398 : vector<16xf32>
          %get3A_400 = arith.constant 16 : i32
          %get3A_401 = arith.index_cast %get3A_400 : i32 to index
          %get3A_402 = arith.index_cast %mul3A_307 : i32 to index
          %get3A_403 = tpu.vector_load %arg8[%get3A_401, %get3A_402] {strides = array<i32>} : memref<20x512xi32, #tpu.memory_space<vmem>>, vector<16xi32>,
          %gather3A_404 = tpu.vector_load_idx %arg6[%get3A_403] : memref<100096xf32, #tpu.memory_space<vmem>>[vector<16xi32>], vector<16xf32>,
          %add3A_405 = arith.addf %add3A_393, %gather3A_404 : vector<16xf32>
          %get3A_406 = arith.constant 17 : i32
          %get3A_407 = arith.index_cast %get3A_406 : i32 to index
          %get3A_408 = arith.index_cast %mul3A_307 : i32 to index
          %get3A_409 = tpu.vector_load %arg8[%get3A_407, %get3A_408] {strides = array<i32>} : memref<20x512xi32, #tpu.memory_space<vmem>>, vector<16xi32>,
          %gather3A_410 = tpu.vector_load_idx %arg6[%get3A_409] : memref<100096xf32, #tpu.memory_space<vmem>>[vector<16xi32>], vector<16xf32>,
          %add3A_411 = arith.addf %add3A_399, %gather3A_410 : vector<16xf32>
          %get3A_412 = arith.constant 18 : i32
          %get3A_413 = arith.index_cast %get3A_412 : i32 to index
          %get3A_414 = arith.index_cast %mul3A_307 : i32 to index
          %get3A_415 = tpu.vector_load %arg8[%get3A_413, %get3A_414] {strides = array<i32>} : memref<20x512xi32, #tpu.memory_space<vmem>>, vector<16xi32>,
          %gather3A_416 = tpu.vector_load_idx %arg6[%get3A_415] : memref<100096xf32, #tpu.memory_space<vmem>>[vector<16xi32>], vector<16xf32>,
          %add3A_417 = arith.addf %add3A_405, %gather3A_416 : vector<16xf32>
          %get3A_418 = arith.constant 19 : i32
          %get3A_419 = arith.index_cast %get3A_418 : i32 to index
          %get3A_420 = arith.index_cast %mul3A_307 : i32 to index
          %get3A_421 = tpu.vector_load %arg8[%get3A_419, %get3A_420] {strides = array<i32>} : memref<20x512xi32, #tpu.memory_space<vmem>>, vector<16xi32>,
          %gather3A_422 = tpu.vector_load_idx %arg6[%get3A_421] : memref<100096xf32, #tpu.memory_space<vmem>>[vector<16xi32>], vector<16xf32>,
          %add3A_423 = arith.addf %add3A_411, %gather3A_422 : vector<16xf32>
          %add3A_424 = arith.addf %add3A_417, %add3A_423 : vector<16xf32>
          %mul3A_425 = arith.constant 512 : i32
          %mul3A_426 = arith.muli %add3A_282, %mul3A_425 : i32
          %add3A_427 = arith.addi %mul3A_426, %mul3A_307 : i32
          %swap3A = arith.index_cast %add3A_427 : i32 to index
          %swap3A_428 = tpu.vector_load %arg9[%swap3A] {strides = array<i32>} : memref<4096xf32, #tpu.memory_space<vmem>>, vector<16xf32>,
          tpu.vector_store %arg9[%swap3A], %add3A_424 {strides = array<i32>} : memref<4096xf32, #tpu.memory_space<vmem>>, vector<16xf32>,
          %scan3A_429 = arith.constant 1 : i32
          %scan3A_430 = arith.addi %scan3A_305, %scan3A_429 : i32
          %mul3A_431 = arith.constant 16 : i32
          %mul3A_432 = arith.muli %scan3A_430, %mul3A_431 : i32
          %get3A_433 = arith.constant 0 : i32
          %get3A_434 = arith.index_cast %get3A_433 : i32 to index
          %get3A_435 = arith.index_cast %mul3A_432 : i32 to index
          %get3A_436 = tpu.vector_load %arg8[%get3A_434, %get3A_435] {strides = array<i32>} : memref<20x512xi32, #tpu.memory_space<vmem>>, vector<16xi32>,
          %gather3A_437 = tpu.vector_load_idx %arg6[%get3A_436] : memref<100096xf32, #tpu.memory_space<vmem>>[vector<16xi32>], vector<16xf32>,
          %get3A_438 = arith.constant 1 : i32
          %get3A_439 = arith.index_cast %get3A_438 : i32 to index
          %get3A_440 = arith.index_cast %mul3A_432 : i32 to index
          %get3A_441 = tpu.vector_load %arg8[%get3A_439, %get3A_440] {strides = array<i32>} : memref<20x512xi32, #tpu.memory_space<vmem>>, vector<16xi32>,
          %gather3A_442 = tpu.vector_load_idx %arg6[%get3A_441] : memref<100096xf32, #tpu.memory_space<vmem>>[vector<16xi32>], vector<16xf32>,
          %get3A_443 = arith.constant 2 : i32
          %get3A_444 = arith.index_cast %get3A_443 : i32 to index
          %get3A_445 = arith.index_cast %mul3A_432 : i32 to index
          %get3A_446 = tpu.vector_load %arg8[%get3A_444, %get3A_445] {strides = array<i32>} : memref<20x512xi32, #tpu.memory_space<vmem>>, vector<16xi32>,
          %gather3A_447 = tpu.vector_load_idx %arg6[%get3A_446] : memref<100096xf32, #tpu.memory_space<vmem>>[vector<16xi32>], vector<16xf32>,
          %add3A_448 = arith.addf %gather3A_437, %gather3A_447 : vector<16xf32>
          %get3A_449 = arith.constant 3 : i32
          %get3A_450 = arith.index_cast %get3A_449 : i32 to index
          %get3A_451 = arith.index_cast %mul3A_432 : i32 to index
          %get3A_452 = tpu.vector_load %arg8[%get3A_450, %get3A_451] {strides = array<i32>} : memref<20x512xi32, #tpu.memory_space<vmem>>, vector<16xi32>,
          %gather3A_453 = tpu.vector_load_idx %arg6[%get3A_452] : memref<100096xf32, #tpu.memory_space<vmem>>[vector<16xi32>], vector<16xf32>,
          %add3A_454 = arith.addf %gather3A_442, %gather3A_453 : vector<16xf32>
          %get3A_455 = arith.constant 4 : i32
          %get3A_456 = arith.index_cast %get3A_455 : i32 to index
          %get3A_457 = arith.index_cast %mul3A_432 : i32 to index
          %get3A_458 = tpu.vector_load %arg8[%get3A_456, %get3A_457] {strides = array<i32>} : memref<20x512xi32, #tpu.memory_space<vmem>>, vector<16xi32>,
          %gather3A_459 = tpu.vector_load_idx %arg6[%get3A_458] : memref<100096xf32, #tpu.memory_space<vmem>>[vector<16xi32>], vector<16xf32>,
          %add3A_460 = arith.addf %add3A_448, %gather3A_459 : vector<16xf32>
          %get3A_461 = arith.constant 5 : i32
          %get3A_462 = arith.index_cast %get3A_461 : i32 to index
          %get3A_463 = arith.index_cast %mul3A_432 : i32 to index
          %get3A_464 = tpu.vector_load %arg8[%get3A_462, %get3A_463] {strides = array<i32>} : memref<20x512xi32, #tpu.memory_space<vmem>>, vector<16xi32>,
          %gather3A_465 = tpu.vector_load_idx %arg6[%get3A_464] : memref<100096xf32, #tpu.memory_space<vmem>>[vector<16xi32>], vector<16xf32>,
          %add3A_466 = arith.addf %add3A_454, %gather3A_465 : vector<16xf32>
          %get3A_467 = arith.constant 6 : i32
          %get3A_468 = arith.index_cast %get3A_467 : i32 to index
          %get3A_469 = arith.index_cast %mul3A_432 : i32 to index
          %get3A_470 = tpu.vector_load %arg8[%get3A_468, %get3A_469] {strides = array<i32>} : memref<20x512xi32, #tpu.memory_space<vmem>>, vector<16xi32>,
          %gather3A_471 = tpu.vector_load_idx %arg6[%get3A_470] : memref<100096xf32, #tpu.memory_space<vmem>>[vector<16xi32>], vector<16xf32>,
          %add3A_472 = arith.addf %add3A_460, %gather3A_471 : vector<16xf32>
          %get3A_473 = arith.constant 7 : i32
          %get3A_474 = arith.index_cast %get3A_473 : i32 to index
          %get3A_475 = arith.index_cast %mul3A_432 : i32 to index
          %get3A_476 = tpu.vector_load %arg8[%get3A_474, %get3A_475] {strides = array<i32>} : memref<20x512xi32, #tpu.memory_space<vmem>>, vector<16xi32>,
          %gather3A_477 = tpu.vector_load_idx %arg6[%get3A_476] : memref<100096xf32, #tpu.memory_space<vmem>>[vector<16xi32>], vector<16xf32>,
          %add3A_478 = arith.addf %add3A_466, %gather3A_477 : vector<16xf32>
          %get3A_479 = arith.constant 8 : i32
          %get3A_480 = arith.index_cast %get3A_479 : i32 to index
          %get3A_481 = arith.index_cast %mul3A_432 : i32 to index
          %get3A_482 = tpu.vector_load %arg8[%get3A_480, %get3A_481] {strides = array<i32>} : memref<20x512xi32, #tpu.memory_space<vmem>>, vector<16xi32>,
          %gather3A_483 = tpu.vector_load_idx %arg6[%get3A_482] : memref<100096xf32, #tpu.memory_space<vmem>>[vector<16xi32>], vector<16xf32>,
          %add3A_484 = arith.addf %add3A_472, %gather3A_483 : vector<16xf32>
          %get3A_485 = arith.constant 9 : i32
          %get3A_486 = arith.index_cast %get3A_485 : i32 to index
          %get3A_487 = arith.index_cast %mul3A_432 : i32 to index
          %get3A_488 = tpu.vector_load %arg8[%get3A_486, %get3A_487] {strides = array<i32>} : memref<20x512xi32, #tpu.memory_space<vmem>>, vector<16xi32>,
          %gather3A_489 = tpu.vector_load_idx %arg6[%get3A_488] : memref<100096xf32, #tpu.memory_space<vmem>>[vector<16xi32>], vector<16xf32>,
          %add3A_490 = arith.addf %add3A_478, %gather3A_489 : vector<16xf32>
          %get3A_491 = arith.constant 10 : i32
          %get3A_492 = arith.index_cast %get3A_491 : i32 to index
          %get3A_493 = arith.index_cast %mul3A_432 : i32 to index
          %get3A_494 = tpu.vector_load %arg8[%get3A_492, %get3A_493] {strides = array<i32>} : memref<20x512xi32, #tpu.memory_space<vmem>>, vector<16xi32>,
          %gather3A_495 = tpu.vector_load_idx %arg6[%get3A_494] : memref<100096xf32, #tpu.memory_space<vmem>>[vector<16xi32>], vector<16xf32>,
          %add3A_496 = arith.addf %add3A_484, %gather3A_495 : vector<16xf32>
          %get3A_497 = arith.constant 11 : i32
          %get3A_498 = arith.index_cast %get3A_497 : i32 to index
          %get3A_499 = arith.index_cast %mul3A_432 : i32 to index
          %get3A_500 = tpu.vector_load %arg8[%get3A_498, %get3A_499] {strides = array<i32>} : memref<20x512xi32, #tpu.memory_space<vmem>>, vector<16xi32>,
          %gather3A_501 = tpu.vector_load_idx %arg6[%get3A_500] : memref<100096xf32, #tpu.memory_space<vmem>>[vector<16xi32>], vector<16xf32>,
          %add3A_502 = arith.addf %add3A_490, %gather3A_501 : vector<16xf32>
          %get3A_503 = arith.constant 12 : i32
          %get3A_504 = arith.index_cast %get3A_503 : i32 to index
          %get3A_505 = arith.index_cast %mul3A_432 : i32 to index
          %get3A_506 = tpu.vector_load %arg8[%get3A_504, %get3A_505] {strides = array<i32>} : memref<20x512xi32, #tpu.memory_space<vmem>>, vector<16xi32>,
          %gather3A_507 = tpu.vector_load_idx %arg6[%get3A_506] : memref<100096xf32, #tpu.memory_space<vmem>>[vector<16xi32>], vector<16xf32>,
          %add3A_508 = arith.addf %add3A_496, %gather3A_507 : vector<16xf32>
          %get3A_509 = arith.constant 13 : i32
          %get3A_510 = arith.index_cast %get3A_509 : i32 to index
          %get3A_511 = arith.index_cast %mul3A_432 : i32 to index
          %get3A_512 = tpu.vector_load %arg8[%get3A_510, %get3A_511] {strides = array<i32>} : memref<20x512xi32, #tpu.memory_space<vmem>>, vector<16xi32>,
          %gather3A_513 = tpu.vector_load_idx %arg6[%get3A_512] : memref<100096xf32, #tpu.memory_space<vmem>>[vector<16xi32>], vector<16xf32>,
          %add3A_514 = arith.addf %add3A_502, %gather3A_513 : vector<16xf32>
          %get3A_515 = arith.constant 14 : i32
          %get3A_516 = arith.index_cast %get3A_515 : i32 to index
          %get3A_517 = arith.index_cast %mul3A_432 : i32 to index
          %get3A_518 = tpu.vector_load %arg8[%get3A_516, %get3A_517] {strides = array<i32>} : memref<20x512xi32, #tpu.memory_space<vmem>>, vector<16xi32>,
          %gather3A_519 = tpu.vector_load_idx %arg6[%get3A_518] : memref<100096xf32, #tpu.memory_space<vmem>>[vector<16xi32>], vector<16xf32>,
          %add3A_520 = arith.addf %add3A_508, %gather3A_519 : vector<16xf32>
          %get3A_521 = arith.constant 15 : i32
          %get3A_522 = arith.index_cast %get3A_521 : i32 to index
          %get3A_523 = arith.index_cast %mul3A_432 : i32 to index
          %get3A_524 = tpu.vector_load %arg8[%get3A_522, %get3A_523] {strides = array<i32>} : memref<20x512xi32, #tpu.memory_space<vmem>>, vector<16xi32>,
          %gather3A_525 = tpu.vector_load_idx %arg6[%get3A_524] : memref<100096xf32, #tpu.memory_space<vmem>>[vector<16xi32>], vector<16xf32>,
          %add3A_526 = arith.addf %add3A_514, %gather3A_525 : vector<16xf32>
          %get3A_527 = arith.constant 16 : i32
          %get3A_528 = arith.index_cast %get3A_527 : i32 to index
          %get3A_529 = arith.index_cast %mul3A_432 : i32 to index
          %get3A_530 = tpu.vector_load %arg8[%get3A_528, %get3A_529] {strides = array<i32>} : memref<20x512xi32, #tpu.memory_space<vmem>>, vector<16xi32>,
          %gather3A_531 = tpu.vector_load_idx %arg6[%get3A_530] : memref<100096xf32, #tpu.memory_space<vmem>>[vector<16xi32>], vector<16xf32>,
          %add3A_532 = arith.addf %add3A_520, %gather3A_531 : vector<16xf32>
          %get3A_533 = arith.constant 17 : i32
          %get3A_534 = arith.index_cast %get3A_533 : i32 to index
          %get3A_535 = arith.index_cast %mul3A_432 : i32 to index
          %get3A_536 = tpu.vector_load %arg8[%get3A_534, %get3A_535] {strides = array<i32>} : memref<20x512xi32, #tpu.memory_space<vmem>>, vector<16xi32>,
          %gather3A_537 = tpu.vector_load_idx %arg6[%get3A_536] : memref<100096xf32, #tpu.memory_space<vmem>>[vector<16xi32>], vector<16xf32>,
          %add3A_538 = arith.addf %add3A_526, %gather3A_537 : vector<16xf32>
          %get3A_539 = arith.constant 18 : i32
          %get3A_540 = arith.index_cast %get3A_539 : i32 to index
          %get3A_541 = arith.index_cast %mul3A_432 : i32 to index
          %get3A_542 = tpu.vector_load %arg8[%get3A_540, %get3A_541] {strides = array<i32>} : memref<20x512xi32, #tpu.memory_space<vmem>>, vector<16xi32>,
          %gather3A_543 = tpu.vector_load_idx %arg6[%get3A_542] : memref<100096xf32, #tpu.memory_space<vmem>>[vector<16xi32>], vector<16xf32>,
          %add3A_544 = arith.addf %add3A_532, %gather3A_543 : vector<16xf32>
          %get3A_545 = arith.constant 19 : i32
          %get3A_546 = arith.index_cast %get3A_545 : i32 to index
          %get3A_547 = arith.index_cast %mul3A_432 : i32 to index
          %get3A_548 = tpu.vector_load %arg8[%get3A_546, %get3A_547] {strides = array<i32>} : memref<20x512xi32, #tpu.memory_space<vmem>>, vector<16xi32>,
          %gather3A_549 = tpu.vector_load_idx %arg6[%get3A_548] : memref<100096xf32, #tpu.memory_space<vmem>>[vector<16xi32>], vector<16xf32>,
          %add3A_550 = arith.addf %add3A_538, %gather3A_549 : vector<16xf32>
          %add3A_551 = arith.addf %add3A_544, %add3A_550 : vector<16xf32>
          %mul3A_552 = arith.constant 512 : i32
          %mul3A_553 = arith.muli %add3A_282, %mul3A_552 : i32
          %add3A_554 = arith.addi %mul3A_553, %mul3A_432 : i32
          %swap3A_555 = arith.index_cast %add3A_554 : i32 to index
          %swap3A_556 = tpu.vector_load %arg9[%swap3A_555] {strides = array<i32>} : memref<4096xf32, #tpu.memory_space<vmem>>, vector<16xf32>,
          tpu.vector_store %arg9[%swap3A_555], %add3A_551 {strides = array<i32>} : memref<4096xf32, #tpu.memory_space<vmem>>, vector<16xf32>,
          %scan3A_557 = arith.constant 2 : i32
          %scan3A_558 = arith.addi %scan3A_305, %scan3A_557 : i32
          %mul3A_559 = arith.constant 16 : i32
          %mul3A_560 = arith.muli %scan3A_558, %mul3A_559 : i32
          %get3A_561 = arith.constant 0 : i32
          %get3A_562 = arith.index_cast %get3A_561 : i32 to index
          %get3A_563 = arith.index_cast %mul3A_560 : i32 to index
          %get3A_564 = tpu.vector_load %arg8[%get3A_562, %get3A_563] {strides = array<i32>} : memref<20x512xi32, #tpu.memory_space<vmem>>, vector<16xi32>,
          %gather3A_565 = tpu.vector_load_idx %arg6[%get3A_564] : memref<100096xf32, #tpu.memory_space<vmem>>[vector<16xi32>], vector<16xf32>,
          %get3A_566 = arith.constant 1 : i32
          %get3A_567 = arith.index_cast %get3A_566 : i32 to index
          %get3A_568 = arith.index_cast %mul3A_560 : i32 to index
          %get3A_569 = tpu.vector_load %arg8[%get3A_567, %get3A_568] {strides = array<i32>} : memref<20x512xi32, #tpu.memory_space<vmem>>, vector<16xi32>,
          %gather3A_570 = tpu.vector_load_idx %arg6[%get3A_569] : memref<100096xf32, #tpu.memory_space<vmem>>[vector<16xi32>], vector<16xf32>,
          %get3A_571 = arith.constant 2 : i32
          %get3A_572 = arith.index_cast %get3A_571 : i32 to index
          %get3A_573 = arith.index_cast %mul3A_560 : i32 to index
          %get3A_574 = tpu.vector_load %arg8[%get3A_572, %get3A_573] {strides = array<i32>} : memref<20x512xi32, #tpu.memory_space<vmem>>, vector<16xi32>,
          %gather3A_575 = tpu.vector_load_idx %arg6[%get3A_574] : memref<100096xf32, #tpu.memory_space<vmem>>[vector<16xi32>], vector<16xf32>,
          %add3A_576 = arith.addf %gather3A_565, %gather3A_575 : vector<16xf32>
          %get3A_577 = arith.constant 3 : i32
          %get3A_578 = arith.index_cast %get3A_577 : i32 to index
          %get3A_579 = arith.index_cast %mul3A_560 : i32 to index
          %get3A_580 = tpu.vector_load %arg8[%get3A_578, %get3A_579] {strides = array<i32>} : memref<20x512xi32, #tpu.memory_space<vmem>>, vector<16xi32>,
          %gather3A_581 = tpu.vector_load_idx %arg6[%get3A_580] : memref<100096xf32, #tpu.memory_space<vmem>>[vector<16xi32>], vector<16xf32>,
          %add3A_582 = arith.addf %gather3A_570, %gather3A_581 : vector<16xf32>
          %get3A_583 = arith.constant 4 : i32
          %get3A_584 = arith.index_cast %get3A_583 : i32 to index
          %get3A_585 = arith.index_cast %mul3A_560 : i32 to index
          %get3A_586 = tpu.vector_load %arg8[%get3A_584, %get3A_585] {strides = array<i32>} : memref<20x512xi32, #tpu.memory_space<vmem>>, vector<16xi32>,
          %gather3A_587 = tpu.vector_load_idx %arg6[%get3A_586] : memref<100096xf32, #tpu.memory_space<vmem>>[vector<16xi32>], vector<16xf32>,
          %add3A_588 = arith.addf %add3A_576, %gather3A_587 : vector<16xf32>
          %get3A_589 = arith.constant 5 : i32
          %get3A_590 = arith.index_cast %get3A_589 : i32 to index
          %get3A_591 = arith.index_cast %mul3A_560 : i32 to index
          %get3A_592 = tpu.vector_load %arg8[%get3A_590, %get3A_591] {strides = array<i32>} : memref<20x512xi32, #tpu.memory_space<vmem>>, vector<16xi32>,
          %gather3A_593 = tpu.vector_load_idx %arg6[%get3A_592] : memref<100096xf32, #tpu.memory_space<vmem>>[vector<16xi32>], vector<16xf32>,
          %add3A_594 = arith.addf %add3A_582, %gather3A_593 : vector<16xf32>
          %get3A_595 = arith.constant 6 : i32
          %get3A_596 = arith.index_cast %get3A_595 : i32 to index
          %get3A_597 = arith.index_cast %mul3A_560 : i32 to index
          %get3A_598 = tpu.vector_load %arg8[%get3A_596, %get3A_597] {strides = array<i32>} : memref<20x512xi32, #tpu.memory_space<vmem>>, vector<16xi32>,
          %gather3A_599 = tpu.vector_load_idx %arg6[%get3A_598] : memref<100096xf32, #tpu.memory_space<vmem>>[vector<16xi32>], vector<16xf32>,
          %add3A_600 = arith.addf %add3A_588, %gather3A_599 : vector<16xf32>
          %get3A_601 = arith.constant 7 : i32
          %get3A_602 = arith.index_cast %get3A_601 : i32 to index
          %get3A_603 = arith.index_cast %mul3A_560 : i32 to index
          %get3A_604 = tpu.vector_load %arg8[%get3A_602, %get3A_603] {strides = array<i32>} : memref<20x512xi32, #tpu.memory_space<vmem>>, vector<16xi32>,
          %gather3A_605 = tpu.vector_load_idx %arg6[%get3A_604] : memref<100096xf32, #tpu.memory_space<vmem>>[vector<16xi32>], vector<16xf32>,
          %add3A_606 = arith.addf %add3A_594, %gather3A_605 : vector<16xf32>
          %get3A_607 = arith.constant 8 : i32
          %get3A_608 = arith.index_cast %get3A_607 : i32 to index
          %get3A_609 = arith.index_cast %mul3A_560 : i32 to index
          %get3A_610 = tpu.vector_load %arg8[%get3A_608, %get3A_609] {strides = array<i32>} : memref<20x512xi32, #tpu.memory_space<vmem>>, vector<16xi32>,
          %gather3A_611 = tpu.vector_load_idx %arg6[%get3A_610] : memref<100096xf32, #tpu.memory_space<vmem>>[vector<16xi32>], vector<16xf32>,
          %add3A_612 = arith.addf %add3A_600, %gather3A_611 : vector<16xf32>
          %get3A_613 = arith.constant 9 : i32
          %get3A_614 = arith.index_cast %get3A_613 : i32 to index
          %get3A_615 = arith.index_cast %mul3A_560 : i32 to index
          %get3A_616 = tpu.vector_load %arg8[%get3A_614, %get3A_615] {strides = array<i32>} : memref<20x512xi32, #tpu.memory_space<vmem>>, vector<16xi32>,
          %gather3A_617 = tpu.vector_load_idx %arg6[%get3A_616] : memref<100096xf32, #tpu.memory_space<vmem>>[vector<16xi32>], vector<16xf32>,
          %add3A_618 = arith.addf %add3A_606, %gather3A_617 : vector<16xf32>
          %get3A_619 = arith.constant 10 : i32
          %get3A_620 = arith.index_cast %get3A_619 : i32 to index
          %get3A_621 = arith.index_cast %mul3A_560 : i32 to index
          %get3A_622 = tpu.vector_load %arg8[%get3A_620, %get3A_621] {strides = array<i32>} : memref<20x512xi32, #tpu.memory_space<vmem>>, vector<16xi32>,
          %gather3A_623 = tpu.vector_load_idx %arg6[%get3A_622] : memref<100096xf32, #tpu.memory_space<vmem>>[vector<16xi32>], vector<16xf32>,
          %add3A_624 = arith.addf %add3A_612, %gather3A_623 : vector<16xf32>
          %get3A_625 = arith.constant 11 : i32
          %get3A_626 = arith.index_cast %get3A_625 : i32 to index
          %get3A_627 = arith.index_cast %mul3A_560 : i32 to index
          %get3A_628 = tpu.vector_load %arg8[%get3A_626, %get3A_627] {strides = array<i32>} : memref<20x512xi32, #tpu.memory_space<vmem>>, vector<16xi32>,
          %gather3A_629 = tpu.vector_load_idx %arg6[%get3A_628] : memref<100096xf32, #tpu.memory_space<vmem>>[vector<16xi32>], vector<16xf32>,
          %add3A_630 = arith.addf %add3A_618, %gather3A_629 : vector<16xf32>
          %get3A_631 = arith.constant 12 : i32
          %get3A_632 = arith.index_cast %get3A_631 : i32 to index
          %get3A_633 = arith.index_cast %mul3A_560 : i32 to index
          %get3A_634 = tpu.vector_load %arg8[%get3A_632, %get3A_633] {strides = array<i32>} : memref<20x512xi32, #tpu.memory_space<vmem>>, vector<16xi32>,
          %gather3A_635 = tpu.vector_load_idx %arg6[%get3A_634] : memref<100096xf32, #tpu.memory_space<vmem>>[vector<16xi32>], vector<16xf32>,
          %add3A_636 = arith.addf %add3A_624, %gather3A_635 : vector<16xf32>
          %get3A_637 = arith.constant 13 : i32
          %get3A_638 = arith.index_cast %get3A_637 : i32 to index
          %get3A_639 = arith.index_cast %mul3A_560 : i32 to index
          %get3A_640 = tpu.vector_load %arg8[%get3A_638, %get3A_639] {strides = array<i32>} : memref<20x512xi32, #tpu.memory_space<vmem>>, vector<16xi32>,
          %gather3A_641 = tpu.vector_load_idx %arg6[%get3A_640] : memref<100096xf32, #tpu.memory_space<vmem>>[vector<16xi32>], vector<16xf32>,
          %add3A_642 = arith.addf %add3A_630, %gather3A_641 : vector<16xf32>
          %get3A_643 = arith.constant 14 : i32
          %get3A_644 = arith.index_cast %get3A_643 : i32 to index
          %get3A_645 = arith.index_cast %mul3A_560 : i32 to index
          %get3A_646 = tpu.vector_load %arg8[%get3A_644, %get3A_645] {strides = array<i32>} : memref<20x512xi32, #tpu.memory_space<vmem>>, vector<16xi32>,
          %gather3A_647 = tpu.vector_load_idx %arg6[%get3A_646] : memref<100096xf32, #tpu.memory_space<vmem>>[vector<16xi32>], vector<16xf32>,
          %add3A_648 = arith.addf %add3A_636, %gather3A_647 : vector<16xf32>
          %get3A_649 = arith.constant 15 : i32
          %get3A_650 = arith.index_cast %get3A_649 : i32 to index
          %get3A_651 = arith.index_cast %mul3A_560 : i32 to index
          %get3A_652 = tpu.vector_load %arg8[%get3A_650, %get3A_651] {strides = array<i32>} : memref<20x512xi32, #tpu.memory_space<vmem>>, vector<16xi32>,
          %gather3A_653 = tpu.vector_load_idx %arg6[%get3A_652] : memref<100096xf32, #tpu.memory_space<vmem>>[vector<16xi32>], vector<16xf32>,
          %add3A_654 = arith.addf %add3A_642, %gather3A_653 : vector<16xf32>
          %get3A_655 = arith.constant 16 : i32
          %get3A_656 = arith.index_cast %get3A_655 : i32 to index
          %get3A_657 = arith.index_cast %mul3A_560 : i32 to index
          %get3A_658 = tpu.vector_load %arg8[%get3A_656, %get3A_657] {strides = array<i32>} : memref<20x512xi32, #tpu.memory_space<vmem>>, vector<16xi32>,
          %gather3A_659 = tpu.vector_load_idx %arg6[%get3A_658] : memref<100096xf32, #tpu.memory_space<vmem>>[vector<16xi32>], vector<16xf32>,
          %add3A_660 = arith.addf %add3A_648, %gather3A_659 : vector<16xf32>
          %get3A_661 = arith.constant 17 : i32
          %get3A_662 = arith.index_cast %get3A_661 : i32 to index
          %get3A_663 = arith.index_cast %mul3A_560 : i32 to index
          %get3A_664 = tpu.vector_load %arg8[%get3A_662, %get3A_663] {strides = array<i32>} : memref<20x512xi32, #tpu.memory_space<vmem>>, vector<16xi32>,
          %gather3A_665 = tpu.vector_load_idx %arg6[%get3A_664] : memref<100096xf32, #tpu.memory_space<vmem>>[vector<16xi32>], vector<16xf32>,
          %add3A_666 = arith.addf %add3A_654, %gather3A_665 : vector<16xf32>
          %get3A_667 = arith.constant 18 : i32
          %get3A_668 = arith.index_cast %get3A_667 : i32 to index
          %get3A_669 = arith.index_cast %mul3A_560 : i32 to index
          %get3A_670 = tpu.vector_load %arg8[%get3A_668, %get3A_669] {strides = array<i32>} : memref<20x512xi32, #tpu.memory_space<vmem>>, vector<16xi32>,
          %gather3A_671 = tpu.vector_load_idx %arg6[%get3A_670] : memref<100096xf32, #tpu.memory_space<vmem>>[vector<16xi32>], vector<16xf32>,
          %add3A_672 = arith.addf %add3A_660, %gather3A_671 : vector<16xf32>
          %get3A_673 = arith.constant 19 : i32
          %get3A_674 = arith.index_cast %get3A_673 : i32 to index
          %get3A_675 = arith.index_cast %mul3A_560 : i32 to index
          %get3A_676 = tpu.vector_load %arg8[%get3A_674, %get3A_675] {strides = array<i32>} : memref<20x512xi32, #tpu.memory_space<vmem>>, vector<16xi32>,
          %gather3A_677 = tpu.vector_load_idx %arg6[%get3A_676] : memref<100096xf32, #tpu.memory_space<vmem>>[vector<16xi32>], vector<16xf32>,
          %add3A_678 = arith.addf %add3A_666, %gather3A_677 : vector<16xf32>
          %add3A_679 = arith.addf %add3A_672, %add3A_678 : vector<16xf32>
          %mul3A_680 = arith.constant 512 : i32
          %mul3A_681 = arith.muli %add3A_282, %mul3A_680 : i32
          %add3A_682 = arith.addi %mul3A_681, %mul3A_560 : i32
          %swap3A_683 = arith.index_cast %add3A_682 : i32 to index
          %swap3A_684 = tpu.vector_load %arg9[%swap3A_683] {strides = array<i32>} : memref<4096xf32, #tpu.memory_space<vmem>>, vector<16xf32>,
          tpu.vector_store %arg9[%swap3A_683], %add3A_679 {strides = array<i32>} : memref<4096xf32, #tpu.memory_space<vmem>>, vector<16xf32>,
          %scan3A_685 = arith.constant 3 : i32
          %scan3A_686 = arith.addi %scan3A_305, %scan3A_685 : i32
          %mul3A_687 = arith.constant 16 : i32
          %mul3A_688 = arith.muli %scan3A_686, %mul3A_687 : i32
          %get3A_689 = arith.constant 0 : i32
          %get3A_690 = arith.index_cast %get3A_689 : i32 to index
          %get3A_691 = arith.index_cast %mul3A_688 : i32 to index
          %get3A_692 = tpu.vector_load %arg8[%get3A_690, %get3A_691] {strides = array<i32>} : memref<20x512xi32, #tpu.memory_space<vmem>>, vector<16xi32>,
          %gather3A_693 = tpu.vector_load_idx %arg6[%get3A_692] : memref<100096xf32, #tpu.memory_space<vmem>>[vector<16xi32>], vector<16xf32>,
          %get3A_694 = arith.constant 1 : i32
          %get3A_695 = arith.index_cast %get3A_694 : i32 to index
          %get3A_696 = arith.index_cast %mul3A_688 : i32 to index
          %get3A_697 = tpu.vector_load %arg8[%get3A_695, %get3A_696] {strides = array<i32>} : memref<20x512xi32, #tpu.memory_space<vmem>>, vector<16xi32>,
          %gather3A_698 = tpu.vector_load_idx %arg6[%get3A_697] : memref<100096xf32, #tpu.memory_space<vmem>>[vector<16xi32>], vector<16xf32>,
          %get3A_699 = arith.constant 2 : i32
          %get3A_700 = arith.index_cast %get3A_699 : i32 to index
          %get3A_701 = arith.index_cast %mul3A_688 : i32 to index
          %get3A_702 = tpu.vector_load %arg8[%get3A_700, %get3A_701] {strides = array<i32>} : memref<20x512xi32, #tpu.memory_space<vmem>>, vector<16xi32>,
          %gather3A_703 = tpu.vector_load_idx %arg6[%get3A_702] : memref<100096xf32, #tpu.memory_space<vmem>>[vector<16xi32>], vector<16xf32>,
          %add3A_704 = arith.addf %gather3A_693, %gather3A_703 : vector<16xf32>
          %get3A_705 = arith.constant 3 : i32
          %get3A_706 = arith.index_cast %get3A_705 : i32 to index
          %get3A_707 = arith.index_cast %mul3A_688 : i32 to index
          %get3A_708 = tpu.vector_load %arg8[%get3A_706, %get3A_707] {strides = array<i32>} : memref<20x512xi32, #tpu.memory_space<vmem>>, vector<16xi32>,
          %gather3A_709 = tpu.vector_load_idx %arg6[%get3A_708] : memref<100096xf32, #tpu.memory_space<vmem>>[vector<16xi32>], vector<16xf32>,
          %add3A_710 = arith.addf %gather3A_698, %gather3A_709 : vector<16xf32>
          %get3A_711 = arith.constant 4 : i32
          %get3A_712 = arith.index_cast %get3A_711 : i32 to index
          %get3A_713 = arith.index_cast %mul3A_688 : i32 to index
          %get3A_714 = tpu.vector_load %arg8[%get3A_712, %get3A_713] {strides = array<i32>} : memref<20x512xi32, #tpu.memory_space<vmem>>, vector<16xi32>,
          %gather3A_715 = tpu.vector_load_idx %arg6[%get3A_714] : memref<100096xf32, #tpu.memory_space<vmem>>[vector<16xi32>], vector<16xf32>,
          %add3A_716 = arith.addf %add3A_704, %gather3A_715 : vector<16xf32>
          %get3A_717 = arith.constant 5 : i32
          %get3A_718 = arith.index_cast %get3A_717 : i32 to index
          %get3A_719 = arith.index_cast %mul3A_688 : i32 to index
          %get3A_720 = tpu.vector_load %arg8[%get3A_718, %get3A_719] {strides = array<i32>} : memref<20x512xi32, #tpu.memory_space<vmem>>, vector<16xi32>,
          %gather3A_721 = tpu.vector_load_idx %arg6[%get3A_720] : memref<100096xf32, #tpu.memory_space<vmem>>[vector<16xi32>], vector<16xf32>,
          %add3A_722 = arith.addf %add3A_710, %gather3A_721 : vector<16xf32>
          %get3A_723 = arith.constant 6 : i32
          %get3A_724 = arith.index_cast %get3A_723 : i32 to index
          %get3A_725 = arith.index_cast %mul3A_688 : i32 to index
          %get3A_726 = tpu.vector_load %arg8[%get3A_724, %get3A_725] {strides = array<i32>} : memref<20x512xi32, #tpu.memory_space<vmem>>, vector<16xi32>,
          %gather3A_727 = tpu.vector_load_idx %arg6[%get3A_726] : memref<100096xf32, #tpu.memory_space<vmem>>[vector<16xi32>], vector<16xf32>,
          %add3A_728 = arith.addf %add3A_716, %gather3A_727 : vector<16xf32>
          %get3A_729 = arith.constant 7 : i32
          %get3A_730 = arith.index_cast %get3A_729 : i32 to index
          %get3A_731 = arith.index_cast %mul3A_688 : i32 to index
          %get3A_732 = tpu.vector_load %arg8[%get3A_730, %get3A_731] {strides = array<i32>} : memref<20x512xi32, #tpu.memory_space<vmem>>, vector<16xi32>,
          %gather3A_733 = tpu.vector_load_idx %arg6[%get3A_732] : memref<100096xf32, #tpu.memory_space<vmem>>[vector<16xi32>], vector<16xf32>,
          %add3A_734 = arith.addf %add3A_722, %gather3A_733 : vector<16xf32>
          %get3A_735 = arith.constant 8 : i32
          %get3A_736 = arith.index_cast %get3A_735 : i32 to index
          %get3A_737 = arith.index_cast %mul3A_688 : i32 to index
          %get3A_738 = tpu.vector_load %arg8[%get3A_736, %get3A_737] {strides = array<i32>} : memref<20x512xi32, #tpu.memory_space<vmem>>, vector<16xi32>,
          %gather3A_739 = tpu.vector_load_idx %arg6[%get3A_738] : memref<100096xf32, #tpu.memory_space<vmem>>[vector<16xi32>], vector<16xf32>,
          %add3A_740 = arith.addf %add3A_728, %gather3A_739 : vector<16xf32>
          %get3A_741 = arith.constant 9 : i32
          %get3A_742 = arith.index_cast %get3A_741 : i32 to index
          %get3A_743 = arith.index_cast %mul3A_688 : i32 to index
          %get3A_744 = tpu.vector_load %arg8[%get3A_742, %get3A_743] {strides = array<i32>} : memref<20x512xi32, #tpu.memory_space<vmem>>, vector<16xi32>,
          %gather3A_745 = tpu.vector_load_idx %arg6[%get3A_744] : memref<100096xf32, #tpu.memory_space<vmem>>[vector<16xi32>], vector<16xf32>,
          %add3A_746 = arith.addf %add3A_734, %gather3A_745 : vector<16xf32>
          %get3A_747 = arith.constant 10 : i32
          %get3A_748 = arith.index_cast %get3A_747 : i32 to index
          %get3A_749 = arith.index_cast %mul3A_688 : i32 to index
          %get3A_750 = tpu.vector_load %arg8[%get3A_748, %get3A_749] {strides = array<i32>} : memref<20x512xi32, #tpu.memory_space<vmem>>, vector<16xi32>,
          %gather3A_751 = tpu.vector_load_idx %arg6[%get3A_750] : memref<100096xf32, #tpu.memory_space<vmem>>[vector<16xi32>], vector<16xf32>,
          %add3A_752 = arith.addf %add3A_740, %gather3A_751 : vector<16xf32>
          %get3A_753 = arith.constant 11 : i32
          %get3A_754 = arith.index_cast %get3A_753 : i32 to index
          %get3A_755 = arith.index_cast %mul3A_688 : i32 to index
          %get3A_756 = tpu.vector_load %arg8[%get3A_754, %get3A_755] {strides = array<i32>} : memref<20x512xi32, #tpu.memory_space<vmem>>, vector<16xi32>,
          %gather3A_757 = tpu.vector_load_idx %arg6[%get3A_756] : memref<100096xf32, #tpu.memory_space<vmem>>[vector<16xi32>], vector<16xf32>,
          %add3A_758 = arith.addf %add3A_746, %gather3A_757 : vector<16xf32>
          %get3A_759 = arith.constant 12 : i32
          %get3A_760 = arith.index_cast %get3A_759 : i32 to index
          %get3A_761 = arith.index_cast %mul3A_688 : i32 to index
          %get3A_762 = tpu.vector_load %arg8[%get3A_760, %get3A_761] {strides = array<i32>} : memref<20x512xi32, #tpu.memory_space<vmem>>, vector<16xi32>,
          %gather3A_763 = tpu.vector_load_idx %arg6[%get3A_762] : memref<100096xf32, #tpu.memory_space<vmem>>[vector<16xi32>], vector<16xf32>,
          %add3A_764 = arith.addf %add3A_752, %gather3A_763 : vector<16xf32>
          %get3A_765 = arith.constant 13 : i32
          %get3A_766 = arith.index_cast %get3A_765 : i32 to index
          %get3A_767 = arith.index_cast %mul3A_688 : i32 to index
          %get3A_768 = tpu.vector_load %arg8[%get3A_766, %get3A_767] {strides = array<i32>} : memref<20x512xi32, #tpu.memory_space<vmem>>, vector<16xi32>,
          %gather3A_769 = tpu.vector_load_idx %arg6[%get3A_768] : memref<100096xf32, #tpu.memory_space<vmem>>[vector<16xi32>], vector<16xf32>,
          %add3A_770 = arith.addf %add3A_758, %gather3A_769 : vector<16xf32>
          %get3A_771 = arith.constant 14 : i32
          %get3A_772 = arith.index_cast %get3A_771 : i32 to index
          %get3A_773 = arith.index_cast %mul3A_688 : i32 to index
          %get3A_774 = tpu.vector_load %arg8[%get3A_772, %get3A_773] {strides = array<i32>} : memref<20x512xi32, #tpu.memory_space<vmem>>, vector<16xi32>,
          %gather3A_775 = tpu.vector_load_idx %arg6[%get3A_774] : memref<100096xf32, #tpu.memory_space<vmem>>[vector<16xi32>], vector<16xf32>,
          %add3A_776 = arith.addf %add3A_764, %gather3A_775 : vector<16xf32>
          %get3A_777 = arith.constant 15 : i32
          %get3A_778 = arith.index_cast %get3A_777 : i32 to index
          %get3A_779 = arith.index_cast %mul3A_688 : i32 to index
          %get3A_780 = tpu.vector_load %arg8[%get3A_778, %get3A_779] {strides = array<i32>} : memref<20x512xi32, #tpu.memory_space<vmem>>, vector<16xi32>,
          %gather3A_781 = tpu.vector_load_idx %arg6[%get3A_780] : memref<100096xf32, #tpu.memory_space<vmem>>[vector<16xi32>], vector<16xf32>,
          %add3A_782 = arith.addf %add3A_770, %gather3A_781 : vector<16xf32>
          %get3A_783 = arith.constant 16 : i32
          %get3A_784 = arith.index_cast %get3A_783 : i32 to index
          %get3A_785 = arith.index_cast %mul3A_688 : i32 to index
          %get3A_786 = tpu.vector_load %arg8[%get3A_784, %get3A_785] {strides = array<i32>} : memref<20x512xi32, #tpu.memory_space<vmem>>, vector<16xi32>,
          %gather3A_787 = tpu.vector_load_idx %arg6[%get3A_786] : memref<100096xf32, #tpu.memory_space<vmem>>[vector<16xi32>], vector<16xf32>,
          %add3A_788 = arith.addf %add3A_776, %gather3A_787 : vector<16xf32>
          %get3A_789 = arith.constant 17 : i32
          %get3A_790 = arith.index_cast %get3A_789 : i32 to index
          %get3A_791 = arith.index_cast %mul3A_688 : i32 to index
          %get3A_792 = tpu.vector_load %arg8[%get3A_790, %get3A_791] {strides = array<i32>} : memref<20x512xi32, #tpu.memory_space<vmem>>, vector<16xi32>,
          %gather3A_793 = tpu.vector_load_idx %arg6[%get3A_792] : memref<100096xf32, #tpu.memory_space<vmem>>[vector<16xi32>], vector<16xf32>,
          %add3A_794 = arith.addf %add3A_782, %gather3A_793 : vector<16xf32>
          %get3A_795 = arith.constant 18 : i32
          %get3A_796 = arith.index_cast %get3A_795 : i32 to index
          %get3A_797 = arith.index_cast %mul3A_688 : i32 to index
          %get3A_798 = tpu.vector_load %arg8[%get3A_796, %get3A_797] {strides = array<i32>} : memref<20x512xi32, #tpu.memory_space<vmem>>, vector<16xi32>,
          %gather3A_799 = tpu.vector_load_idx %arg6[%get3A_798] : memref<100096xf32, #tpu.memory_space<vmem>>[vector<16xi32>], vector<16xf32>,
          %add3A_800 = arith.addf %add3A_788, %gather3A_799 : vector<16xf32>
          %get3A_801 = arith.constant 19 : i32
          %get3A_802 = arith.index_cast %get3A_801 : i32 to index
          %get3A_803 = arith.index_cast %mul3A_688 : i32 to index
          %get3A_804 = tpu.vector_load %arg8[%get3A_802, %get3A_803] {strides = array<i32>} : memref<20x512xi32, #tpu.memory_space<vmem>>, vector<16xi32>,
          %gather3A_805 = tpu.vector_load_idx %arg6[%get3A_804] : memref<100096xf32, #tpu.memory_space<vmem>>[vector<16xi32>], vector<16xf32>,
          %add3A_806 = arith.addf %add3A_794, %gather3A_805 : vector<16xf32>
          %add3A_807 = arith.addf %add3A_800, %add3A_806 : vector<16xf32>
          %mul3A_808 = arith.constant 512 : i32
          %mul3A_809 = arith.muli %add3A_282, %mul3A_808 : i32
          %add3A_810 = arith.addi %mul3A_809, %mul3A_688 : i32
          %swap3A_811 = arith.index_cast %add3A_810 : i32 to index
          %swap3A_812 = tpu.vector_load %arg9[%swap3A_811] {strides = array<i32>} : memref<4096xf32, #tpu.memory_space<vmem>>, vector<16xf32>,
          tpu.vector_store %arg9[%swap3A_811], %add3A_807 {strides = array<i32>} : memref<4096xf32, #tpu.memory_space<vmem>>, vector<16xf32>,
        }
        %scan3A_304 = arith.constant 32 : i32
      }
      %scan3A_243 = arith.constant 4 : i32
      %dma_start3A_244 = arith.constant 0 : i32
      %dma_start3A_245 = tpu.memref_slice %arg5[%add3A_80, %dma_start3A_244] : memref<832x4096xf32, #tpu.memory_space<hbm>> -> memref<1x4096xf32, #tpu.memory_space<hbm>>
      %dma_start3A_246 = tpu.memref_squeeze %dma_start3A_245 : memref<1x4096xf32, #tpu.memory_space<hbm>> -> memref<4096xf32, #tpu.memory_space<hbm>>
      %dma_start3A_247 = arith.constant 0 : i32
      %dma_start3A_248 = tpu.memref_slice %arg5[%add3A_80, %dma_start3A_247] : memref<832x4096xf32, #tpu.memory_space<hbm>> -> memref<1x4096xf32, #tpu.memory_space<hbm>>
      %dma_start3A_249 = tpu.memref_squeeze %dma_start3A_248 : memref<1x4096xf32, #tpu.memory_space<hbm>> -> memref<4096xf32, #tpu.memory_space<hbm>>
      tpu.enqueue_dma source(%arg9 : memref<4096xf32, #tpu.memory_space<vmem>>) target(%dma_start3A_249 : memref<4096xf32, #tpu.memory_space<hbm>>) target_semaphore(%arg13 : memref<!tpu.dma_semaphore, #tpu.memory_space<semaphore_mem>>)
    }
    %scan3A_30 = arith.constant 26 : i32
    %mul3A_31 = arith.constant 26 : i32
    %mul3A_32 = arith.muli %add3A, %mul3A_31 : i32
    %add3A_33 = arith.constant 26 : i32
    %add3A_34 = arith.addi %mul3A_32, %add3A_33 : i32
    %sub3A_35 = arith.constant 1 : i32
    %sub3A_36 = arith.subi %add3A_34, %sub3A_35 : i32
    %add3A_37 = arith.constant 1 : i32
    %add3A_38 = arith.addi %sub3A_36, %add3A_37 : i32
    %jit3A_39 = arith.constant 32 : i32
    %div3A_40 = arith.divsi %add3A_38, %jit3A_39 : i32
    %sign3A_41 = arith.constant 0 : i32
    %sign3A_42 = arith.cmpi sgt, %add3A_38, %sign3A_41 : i32
    %sign3A_43 = arith.extui %sign3A_42 : i1 to i32
    %sign3A_44 = arith.constant 0 : i32
    %sign3A_45 = arith.cmpi slt, %add3A_38, %sign3A_44 : i32
    %sign3A_46 = arith.extui %sign3A_45 : i1 to i32
    %sign3A_47 = arith.subi %sign3A_43, %sign3A_46 : i32
    %sign3A_48 = arith.constant 0 : i32
    %sign3A_49 = arith.cmpi sgt, %jit3A_39, %sign3A_48 : i32
    %sign3A_50 = arith.extui %sign3A_49 : i1 to i32
    %sign3A_51 = arith.constant 0 : i32
    %sign3A_52 = arith.cmpi slt, %jit3A_39, %sign3A_51 : i32
    %sign3A_53 = arith.extui %sign3A_52 : i1 to i32
    %sign3A_54 = arith.subi %sign3A_50, %sign3A_53 : i32
    %ne3A_55 = arith.cmpi ne, %sign3A_47, %sign3A_54 : i32
    %rem3A_56 = arith.remsi %add3A_38, %jit3A_39 : i32
    %ne3A_57 = arith.constant 0 : i32
    %ne3A_58 = arith.cmpi ne, %rem3A_56, %ne3A_57 : i32
    %and3A_59 = arith.andi %ne3A_55, %ne3A_58 : i1
    %sub3A_60 = arith.constant 1 : i32
    %sub3A_61 = arith.subi %div3A_40, %sub3A_60 : i32
    %select_n3A_62 = arith.select %and3A_59, %sub3A_61, %div3A_40 : i32
    %min3A = arith.constant 25 : i32
    %min3A_63 = arith.minsi %select_n3A_62, %min3A : i32
    %dma_wait3A = arith.constant 0 : i32
    %dma_wait3A_64 = arith.constant 0 : i32
    %dma_wait3A_65 = tpu.memref_slice %arg4[%min3A_63, %dma_wait3A, %dma_wait3A_64] : memref<26x20x4096xi32, #tpu.memory_space<hbm>> -> memref<1x20x512xi32, #tpu.memory_space<hbm>>
    %dma_wait3A_66 = tpu.memref_squeeze %dma_wait3A_65 : memref<1x20x512xi32, #tpu.memory_space<hbm>> -> memref<20x512xi32, #tpu.memory_space<hbm>>
    %dma_wait3A_67 = arith.constant 0 : i32
    %dma_wait3A_68 = arith.constant 0 : i32
    %dma_wait3A_69 = tpu.memref_slice %arg4[%min3A_63, %dma_wait3A_67, %dma_wait3A_68] : memref<26x20x4096xi32, #tpu.memory_space<hbm>> -> memref<1x20x512xi32, #tpu.memory_space<hbm>>
    %dma_wait3A_70 = tpu.memref_squeeze %dma_wait3A_69 : memref<1x20x512xi32, #tpu.memory_space<hbm>> -> memref<20x512xi32, #tpu.memory_space<hbm>>
    tpu.wait_dma2 semaphore(%arg11 : memref<!tpu.dma_semaphore, #tpu.memory_space<semaphore_mem>>) src(%dma_wait3A_70 : memref<20x512xi32, #tpu.memory_space<hbm>>) dst(%arg7 : memref<20x512xi32, #tpu.memory_space<vmem>>)
    %dma_wait3A_71 = arith.constant 0 : i32
    %dma_wait3A_72 = tpu.memref_slice %arg5[%sub3A_36, %dma_wait3A_71] : memref<832x4096xf32, #tpu.memory_space<hbm>> -> memref<1x4096xf32, #tpu.memory_space<hbm>>
    %dma_wait3A_73 = tpu.memref_squeeze %dma_wait3A_72 : memref<1x4096xf32, #tpu.memory_space<hbm>> -> memref<4096xf32, #tpu.memory_space<hbm>>
    %dma_wait3A_74 = arith.constant 0 : i32
    %dma_wait3A_75 = tpu.memref_slice %arg5[%sub3A_36, %dma_wait3A_74] : memref<832x4096xf32, #tpu.memory_space<hbm>> -> memref<1x4096xf32, #tpu.memory_space<hbm>>
    %dma_wait3A_76 = tpu.memref_squeeze %dma_wait3A_75 : memref<1x4096xf32, #tpu.memory_space<hbm>> -> memref<4096xf32, #tpu.memory_space<hbm>>
    tpu.wait_dma2 semaphore(%arg13 : memref<!tpu.dma_semaphore, #tpu.memory_space<semaphore_mem>>) src(%arg9 : memref<4096xf32, #tpu.memory_space<vmem>>) dst(%dma_wait3A_76 : memref<4096xf32, #tpu.memory_space<hbm>>)
    return
  }
}

</mosaic_0001>

<sc_bundles>
// kernel: kernel.3.cloned.1.call-start
scs
__scs_entry_jumppad:
0x0: {  	(pc) =	sbr.rel $0x88, $3  }
0x1: {  	(tag) =	ssettag $0x0;
	lr =	simm.s32 $0x1  }
0x2: {  	[smem:$0x3F9F] =	sst lr;
	_ =	strace $0xD0000000  }
0x3: {  	_ = 	snop  }
0x4: {  	_ = 	snop  }
0x5: {  	_ = 	snop  }
0x6: {  	_ = 	snop  }
0x7: {  	_ = 	snop  }
__scs_overlays_trampoline_lowered:
0x8: {  	[smem:$0x3FAE] =	sst s0  }
0x9: {  	[smem:$0x3FAF] =	sst s1  }
0xa: {  	[smem:$0x3FB0] =	sst s2  }
0xb: {  	[smem:$0x3FB1] =	sst s3  }
0xc: {  	[smem:$0x3FB2] =	sst s4  }
0xd: {  	[smem:$0x3FB3] =	sst s5  }
0xe: {  	[smem:$0x3FB4] =	sst s6  }
0xf: {  	[smem:$0x3FB5] =	sst s7  }
0x10: {  	[smem:$0x3FB6] =	sst s8  }
0x11: {  	[smem:$0x3FB7] =	sst s9;
	s0 =	simm.s32 @!p0 $0x0  }
0x12: {  	s1 =	sld [smem:$0x3F9D];
	s0 =	simm.s32 @p0 $0x1  }
0x13: {  	[smem:$0x3FB8] =	sst s0;
	s0 =	simm.s32 @!p1 $0x0  }
0x14: {  	s2 =	sld [smem:$0x3F9C];
	s0 =	simm.s32 @p1 $0x1  }
0x15: {  	[smem:$0x3FB9] =	sst s0;
	s0 =	simm.s32 @!p2 $0x0  }
0x16: {  	s3 =	sld [smem:$0x3FDB];
	s0 =	simm.s32 @p2 $0x1  }
0x17: {  	s4 =	simm.s32 $0x1BF5;
	[smem:$0x3FBB] =	sst s0  }
0x18: {  	s0 =	sld [smem:$0x3F9E];
	_ =	swait.ge [sflag:s4], $0x0  }
0x19: {  	s7 =	sld [smem:$0x3F9F]  }
0x1a: {  	s8 =	sadd.s32 $0xFFFFE003, lr  }
0x1b: {  	s9 =	sadd.s32 $0xFFFFFEF7, lr;
	s5 =	simm.s32 $0xFFFFFFFF;
	p2 =	slt.u32 s8, $0xFFFFF086  }
0x1c: {  	p1 =	slt.u32 s9, $0xF7A;
	s5 =	simm.s32 @!p2 $0x0  }
0x1d: {  	s5 =	simm.s32 @p1 $0x1;
	p0 =	seq.s32 s7, s2  }
0x1e: {  	s7 =	smul.u32 @!p0 $0xF7A, s2;
	p2 =	seq.s32 @!p0 s5, $0x0  }
0x1f: {  	s9 =	smul.u32 $0xF7A, s1;
	s8 =	simm.s32 @!p0 $0x1BF5;
	p2 =	por !p2, p0  }
0x20: {  	[sflag:s8] =	ssyncset.s32 @!p0 $0xFFFFF086;
	s6 =	sadd.s32 @!p0 s3, s7;
	s7 =	simm.s32 @!p0 $0x108  }
0x21: {  	s3 =	sadd.s32 s3, s9;
	s6 =	sadd.s32 @!p0 $0x88, s6;
	s7 =	simm.s32 @p2 $0x1082  }
0x22: {  	[simem:s7], [sflag:s8] =	dma.local @!p0 [hbm:s6], $0xF7A  }
0x23: {  	s9 =	sor.u32 $0xD0000000, s2;
	s6 =	simm.s32 $0x108;
	_ =	swait.ge @!p0 [sflag:s8], $0x0  }
0x24: {  	s3 =	sadd.s32 $0x88, s3;
	s6 =	simm.s32 @!p1 $0x1082;
	[sflag:s4] =	ssyncset.s32 $0xFFFFF086  }
0x25: {  	[simem:s6], [sflag:s4] =	dma.local [hbm:s3], $0xF7A  }
0x26: {  	[smem:$0x3F9F] =	sst s1;
	(tag) =	ssettag s2;
	_ =	strace s9  }
0x27: {  	s1 =	sld [smem:$0x3FAF]  }
0x28: {  	s2 =	sld [smem:$0x3FB0]  }
0x29: {  	s4 =	sld [smem:$0x3FB2]  }
0x2a: {  	p0 =	seq.s32 s5, $0x0;
	s5 =	sld [smem:$0x3FB3]  }
0x2b: {  	s6 =	sld [smem:$0x3FB4]  }
0x2c: {  	s7 =	sld [smem:$0x3FB5]  }
0x2d: {  	s3 =	simm.s32 $0x108;
	s8 =	sld [smem:$0x3FB6]  }
0x2e: {  	s3 =	simm.s32 @!p0 $0x1082;
	s9 =	sld [smem:$0x3FB7]  }
0x2f: {  	lr =	sadd.s32 s0, s3;
	s0 =	sld [smem:$0x3FAE]  }
0x30: {  	s3 =	sld [smem:$0x3FB1]  }
0x31: {  	[smem:$0x3FBA] =	sst s10  }
0x32: {  	s10 =	sld [smem:$0x3FB8];
	_ =	sdelay $0x3  }
0x33: {  	p0 =	seq.s32 s10, $0x1;
	s10 =	sld [smem:$0x3FBA];
	_ =	sdelay $0x3  }
0x34: {  	[smem:$0x3FBA] =	sst s10  }
0x35: {  	s10 =	sld [smem:$0x3FB9];
	_ =	sdelay $0x3  }
0x36: {  	p1 =	seq.s32 s10, $0x1;
	s10 =	sld [smem:$0x3FBA];
	_ =	sdelay $0x3  }
0x37: {  	[smem:$0x3FBA] =	sst s10  }
0x38: {  	s10 =	sld [smem:$0x3FBB]  }
0x39: {  	_ = 	snop;
	(pc) =	sbr.ind lr, $3  }
0x3a: {  	_ = 	snop  }
0x3b: {  	_ = 	snop  }
0x3c: {  	p2 =	seq.s32 s10, $0x1;
	s10 =	sld [smem:$0x3FBA]  }
0x3d: {  	_ =	shalt  }
0x3e: {  	_ =	shalt  }
0x3f: {  	_ =	shalt  }
0x40: {  	_ =	shalt  }
0x41: {  	_ =	shalt  }
0x42: {  	_ =	shalt  }
0x43: {  	_ =	shalt  }
0x44: {  	_ =	shalt  }
0x45: {  	_ =	shalt  }
0x46: {  	_ =	shalt  }
0x47: {  	_ =	shalt  }
0x48: {  	_ =	shalt  }
0x49: {  	_ =	shalt  }
0x4a: {  	_ =	shalt  }
0x4b: {  	_ =	shalt  }
0x4c: {  	_ =	shalt  }
0x4d: {  	_ =	shalt  }
0x4e: {  	_ =	shalt  }
0x4f: {  	_ =	shalt  }
0x50: {  	_ =	shalt  }
0x51: {  	_ =	shalt  }
0x52: {  	_ =	shalt  }
0x53: {  	_ =	shalt  }
0x54: {  	_ =	shalt  }
0x55: {  	_ =	shalt  }
0x56: {  	_ =	shalt  }
0x57: {  	_ =	shalt  }
0x58: {  	_ =	shalt  }
0x59: {  	_ =	shalt  }
0x5a: {  	_ =	shalt  }
0x5b: {  	_ =	shalt  }
0x5c: {  	_ =	shalt  }
0x5d: {  	_ =	shalt  }
0x5e: {  	_ =	shalt  }
0x5f: {  	_ =	shalt  }
0x60: {  	_ =	shalt  }
0x61: {  	_ =	shalt  }
0x62: {  	_ =	shalt  }
0x63: {  	_ =	shalt  }
0x64: {  	_ =	shalt  }
0x65: {  	_ =	shalt  }
0x66: {  	_ =	shalt  }
0x67: {  	_ =	shalt  }
0x68: {  	_ =	shalt  }
0x69: {  	_ =	shalt  }
0x6a: {  	_ =	shalt  }
0x6b: {  	_ =	shalt  }
0x6c: {  	_ =	shalt  }
0x6d: {  	_ =	shalt  }
0x6e: {  	_ =	shalt  }
0x6f: {  	_ =	shalt  }
0x70: {  	_ =	shalt  }
0x71: {  	_ =	shalt  }
0x72: {  	_ =	shalt  }
0x73: {  	_ =	shalt  }
0x74: {  	_ =	shalt  }
0x75: {  	_ =	shalt  }
0x76: {  	_ =	shalt  }
0x77: {  	_ =	shalt  }
0x78: {  	_ =	shalt  }
0x79: {  	_ =	shalt  }
0x7a: {  	_ =	shalt  }
0x7b: {  	_ =	shalt  }
0x7c: {  	_ =	shalt  }
0x7d: {  	_ =	shalt  }
0x7e: {  	_ =	shalt  }
0x7f: {  	_ =	shalt  }
0x80: {  	_ =	shalt  }
0x81: {  	_ =	shalt  }
0x82: {  	_ =	shalt  }
0x83: {  	_ =	shalt  }
0x84: {  	_ =	shalt  }
0x85: {  	_ =	shalt  }
0x86: {  	_ =	shalt  }
0x87: {  	_ =	shalt  }
.Lfunc_end0:
.L_simem_size_0:
called_computation_lowered:
.L_overlay_start_0:
0x88: {  	s2 =	sld [smem:$0x3FD9]  }
0x89: {  	s3 =	sld [smem:$0x3FFE];
	_ =	sdelay $0x1  }
0x8a: {  	s1 =	srdreg.scid  }
0x8b: {  	s0 =	sand.u32 $0x1, s1  }
0x8c: {  	s17 =	sshll.u32 s0, $0xA;
	s2 =	sadd.s32 s3, s2  }
0x8d: {  	s2 =	sadd.s32 s2, s17  }
0x8e: {  	[smem:$0x3FC6] =	sst s2  }
0x8f: {  	_ = 	snop  }
0x90: {  	s2 =	sld [smem:$0x3FC9]  }
0x91: {  	s18 =	sld [smem:$0x3FC8]  }
0x92: {  	s4 =	sld [smem:$0x3FD0];
	(tm) =	ssettm $0x1  }
0x93: {  	s5 =	sld [smem:$0x3FFB];
	_ =	sdelay $0x3  }
0x94: {  	_ =	strace s5  }
0x95: {  	s5 =	sld [smem:$0x3FFC];
	_ =	sdelay $0x3  }
0x96: {  	_ =	strace s5  }
0x97: {  	s5 =	sld [smem:$0x3FFD];
	_ =	sdelay $0x3  }
0x98: {  	_ =	strace s5  }
0x99: {  	_ =	strace $0x8FFFFFFF  }
0x9a: {  	s19 =	sld [smem:$0x3FDB];
	_ =	sdelay $0x1  }
0x9b: {  	s6 =	simm.s32 $_scs_section_size  }
0x9c: {  	s7 =	simm.s32 $_size__tile_overlayer_lowered;
	s8 =	simm.s32 $_tile_overlayer_lowered  }
0x9d: {  	s22 =	simm.s32 $0x1BFF;
	s21 =	sshll.u32 s8, $0x1;
	s5 =	sadd.s32 s6, s19  }
0x9e: {  	s9 =	simm.s32 $0x0;
	s20 =	sshll.u32 s7, $0x1;
	s7 =	sadd.s32 s21, s5  }
0x9f: {  	[timem:s9], [sflag:s22] =	dma.local [hbm:s7], s20  }
0xa0: {  	_ =	swait.ge [sflag:s22], s20  }
0xa1: {  	s6 =	ssub.s32 $0x0, s20;
	[sflag:s22] =	ssyncset.done $0x0  }
0xa2: {  	[sflag:s22] =	ssyncadd.s32 s6;
	_ =	sdelay $0x1  }
0xa3: {  	s23 =	simm.s32 $0x1B8B  }
0xa4: {  	_ =	swait.ge [sflag:s23], $0x1  }
0xa5: {  	[sflag:s23] =	ssyncset.done $0x0  }
0xa6: {  	s25 =	simm.s32 $0x1B8E;
	s24 =	sld [smem:$0x3FFE];
	[sflag:s23] =	ssyncadd.s32 $0xFFFFFFFF  }
0xa7: {  	s26 =	simm.s32 $execute0_lowered;
	[smem:$0x3FD2] =	sst s25  }
0xa8: {  	s7 =	sshll.u32 s26, $0x1;
	_ =	strace $0x80000046;
	[dreg:$0x1] =	wrdreg $0xFFFFFFFF  }
0xa9: {  	s28 =	simm.s32 $_size_execute0_lowered;
	s5 =	sadd.s32 s5, s7;
	[dreg:$0x0] =	wrdreg $0x0  }
0xaa: {  	s7 =	sshll.u32 s28, $0x1;
	[dreg:$0x2] =	wrdreg s5  }
0xab: {  	[dreg:$0x3] =	wrdreg s7  }
0xac: {  	[dreg:$0x4] =	wrdreg $0xC0  }
0xad: {  	_ =	task [dreg:s9], $0x5FFFF  }
0xae: {  	[dreg:$0x1] =	wrdreg $0xFFFFFFFF  }
0xaf: {  	[dreg:$0x0] =	wrdreg $0x60  }
0xb0: {  	[dreg:$0x2] =	wrdreg s18  }
0xb1: {  	[dreg:$0x3] =	wrdreg s24  }
0xb2: {  	[dreg:$0x4] =	wrdreg s2  }
0xb3: {  	[dreg:$0x5] =	wrdreg s4  }
0xb4: {  	[dreg:$0x6] =	wrdreg $0x9  }
0xb5: {  	_ =	task.clear_ibuf [dreg:s9], $0x7FFFF;
	_ =	strace $0x90000046  }
0xb6: {  	s29 =	simm.s32 $0x9;
	_ =	strace $0x80000048  }
0xb7: {  	_ =	swait.ge [sflag:s29], $0x1  }
0xb8: {  	[sflag:s29] =	ssyncadd.s32 $0xFFFFFFFF  }
0xb9: {  	_ =	strace $0x90000048  }
0xba: {  	_ =	sfence  }
0xbb: {  	s30 =	sld [smem:$0x0];
	_ =	sdelay $0x2  }
0xbc: {  	s31 =	sshll.u32 s1, $0xD;
	s1 =	sshrl.u32 s1, $0x2  }
0xbd: {  	s3 =	sand.u32 $0x4000, s31;
	s1 =	sadd.s32 s1, s30  }
0xbe: {  	s0 =	sor.u32 s3, s0;
	s1 =	sshll.u32 s1, $0x11  }
0xbf: {  	s0 =	sor.u32 s1, s0  }
0xc0: {  	s0 =	sadd.s32 $0x8F2B, s0  }
0xc1: {  	[sflag:s0] =	ssyncadd.remote.s32 $0x1  }
0xc2: {  	_ =	sfence.sel $0xFFFF  }
0xc3: {  	[dreg:$0x0] =	wrdreg $0xFFFFFFFF;
	(pc) =	sbr.abs _section_cstart, $3  }
0xc4: {  	[dreg:$0x1] =	wrdreg $0xFFFFFFFF  }
0xc5: {  	_ =	task.clear_ibuf [dreg:s9], $0x2FFFF;
	_ =	strace $0x9FFFFFFF  }
0xc6: {  	(tm) =	ssettm $0x7FFFFFFF  }
0xc7: {  	_ =	shalt  }
tec
execute0_lowered:
.L_overlay_start_1:
0x0: {  	(tag) =	ssettag $0x1  }
0x1: {  	s0 =	srdreg.scid;
	s2 =	stileid.u32  }
0x2: {  	s1 =	rddreg [dreg:$0x1];
	s0 =	sand.u32 $0x1, s0;
	s2 =	sshll.u32 s2, $0x1  }
0x3: {  	s4 =	rddreg [dreg:$0x2];
	s6 =	simm.s32 $0x0;
	s2 =	sor.u32 s0, s2  }
0x4: {  	s30 =	simm.s32 $0x1000;
	s5 =	simm.s32 $0x80;
	s2 =	smul.u32 $0x1A, s2  }
0x5: {  	s7 =	simm.s32 $0x400;
	[smem:$0x7FF] =	sst s6;
	s0 =	ssub.s32 $0x2, s0  }
0x6: {  	s3 =	sshrl.u32 s0, $0x1;
	[dreg:$0x7] =	wrdreg s2;
	s2 =	sshrl.u32 s2, $0x5  }
0x7: {  	s1 =	sadd.s32 $0x400, s1;
	s0 =	ssub.s32 s0, s3;
	s2 =	smul.u32 $0x3000, s2  }
0x8: {  	s0 =	smax.u32 s0, $0x1;
	_ =	strace $0x80000047;
	[dreg:$0x8] =	wrdreg s1  }
0x9: {  	s21 =	simm.s32 $0x2;
	[dreg:$0xa] =	wrdreg s0;
	s31 =	sadd.s32 s4, s2  }
0xa: {  	s22 =	simm.s32 $0x3;
	s2 =	simm.s32 $0x0;
	[dreg:$0x9] =	wrdreg s31  }
.LBB2_1:
0xb: {  	[dreg:$0xb] =	wrdreg s2  }
0xc: {  	s0 =	rddreg [dreg:$0x9]  }
0xd: {  	s1 =	simm.s32 $0x8000;
	s31 =	simm.s32 $0x18700;
	s9 =	simm.s32 $0x0  }
0xe: {  	[tilespmem:s31], [sflag:$0x2] =	stream.strided.gather [hbm4b:s0+s30], $0x3000, s1, s30, $0x38;
	[tilespmem:$0x1F700] =	vst v63  }
.LBB2_2:
0xf: {  	s0 =	rddreg [dreg:$0x7]  }
0x10: {  	s0 =	sadd.s32 s0, s9  }
0x11: {  	s1 =	sshrl.u32 s0, $0x5;
	s10 =	sshrl.u32 s0, $0x3  }
0x12: {  	s2 =	sand.u32 $0x3, s10;
	s3 =	smul.u32 $0x30E000, s1  }
0x13: {  	s2 =	smul.u32 $0xC3800, s2  }
0x14: {  	s4 =	sshll.u32 s0, $0x7  }
0x15: {  	s11 =	sand.u32 $0x380, s4;
	s2 =	sadd.s32 s3, s2  }
0x16: {  	s2 =	sor.u32 s11, s2  }
0x17: {  	s17 =	rddreg [dreg:$0x0];
	s16 =	sshrl.u32 s2, $0x3  }
0x18: {  	s18 =	sadd.s32 $0x31000, s2;
	s3 =	sadd.s32 s17, s16  }
0x19: {  	[tilespmem:s6], [sflag:$0x1] =	stream.strided.gather [hbm4b:s3+s5], $0x6200, s7, s5, $0x38;
	[tilespmem:$0x1F700] =	vst v63  }
0x1a: {  	s3 =	sshrl.u32 s18, $0x3  }
0x1b: {  	s8 =	simm.s32 $0x6200;
	s19 =	sadd.s32 $0x61C00, s2;
	s3 =	sadd.s32 s17, s3  }
0x1c: {  	[tilespmem:s8], [sflag:$0x1] =	stream.strided.gather [hbm4b:s3+s5], $0x6180, s7, s5, $0x38;
	[tilespmem:$0x1F700] =	vst v63  }
0x1d: {  	s2 =	sadd.s32 $0x92800, s2;
	s3 =	sshrl.u32 s19, $0x3  }
0x1e: {  	s20 =	simm.s32 $0xC380;
	s2 =	sshrl.u32 s2, $0x3;
	s3 =	sadd.s32 s17, s3  }
0x1f: {  	[tilespmem:s20], [sflag:$0x1] =	stream.strided.gather [hbm4b:s3+s5], $0x6180, s7, s5, $0x38;
	[tilespmem:$0x1F700] =	vst v63  }
0x20: {  	s23 =	simm.s32 $0x12500;
	s24 =	sshll.u32 s10, $0xA;
	s2 =	sadd.s32 s17, s2  }
0x21: {  	[tilespmem:s23], [sflag:$0x1] =	stream.strided.gather [hbm4b:s2+s5], $0x6180, s7, s5, $0x38;
	[tilespmem:$0x1F700] =	vst v63  }
0x22: {  	s25 =	rddreg [dreg:$0x8];
	s2 =	sor.u32 s11, s24  }
0x23: {  	s26 =	simm.s32 $0x18680;
	[dreg:$0xc] =	wrdreg s9;
	s2 =	sshrl.u32 s2, $0x3  }
0x24: {  	p0 =	seq.s32 s9, $0x0;
	[dreg:$0xd] =	wrdreg s10;
	s2 =	sadd.s32 s25, s2  }
0x25: {  	[tilespmem:s26], [sflag:$0x1] =	stream.linear.gather [hbm4b:s2+s6], $0x80, $0x38;
	[tilespmem:$0x1F700] =	vst v63  }
0x26: {  	[dreg:$0xe] =	wrdreg s11;
	s2 =	simm.s32 @!p0 $0x4  }
0x27: {  	_ =	swait.ge @!p0 [sflag:s2], $0x1000  }
0x28: {  	[sflag:s2] =	ssyncset.done @!p0 $0x0  }
0x29: {  	s28 =	simm.s32 $0x1;
	[sflag:s2] =	ssyncadd.s32 @!p0 $0xFFFFF000  }
0x2a: {  	_ =	swait.ge [sflag:s28], $0x6200  }
0x2b: {  	[sflag:s28] =	ssyncset.done $0x0  }
0x2c: {  	[sflag:s28] =	ssyncadd.s32 $0xFFFF9E00  }
0x2d: {  	_ =	swait.ge [sflag:s28], $0x6180  }
0x2e: {  	[sflag:s28] =	ssyncset.done $0x0  }
0x2f: {  	[sflag:s28] =	ssyncadd.s32 $0xFFFF9E80  }
0x30: {  	_ =	swait.ge [sflag:s28], $0x6180  }
0x31: {  	[sflag:s28] =	ssyncset.done $0x0  }
0x32: {  	[sflag:s28] =	ssyncadd.s32 $0xFFFF9E80  }
0x33: {  	_ =	swait.ge [sflag:s28], $0x6180  }
0x34: {  	[sflag:s28] =	ssyncset.done $0x0  }
0x35: {  	[sflag:s28] =	ssyncadd.s32 $0xFFFF9E80  }
0x36: {  	_ =	swait.ge [sflag:s28], $0x80  }
0x37: {  	s1 =	smul.u32 $0x18000, s1;
	[sflag:s28] =	ssyncset.done $0x0  }
0x38: {  	s0 =	sadd.s32 $0x1, s0;
	[sflag:s28] =	ssyncadd.s32 $0xFFFFFF80  }
0x39: {  	s0 =	sshrl.u32 s0, $0x5;
	s29 =	sshrl.u32 s1, $0x3;
	s3 =	rddreg [dreg:$0x2]  }
0x3a: {  	s0 =	smin.u32 s0, $0x19;
	s31 =	sor.u32 $0x2000, s1;
	s2 =	sadd.s32 s3, s29  }
0x3b: {  	[dreg:$0xf] =	wrdreg s2;
	s2 =	smul.u32 $0x3000, s0;
	s0 =	simm.s32 $0x0  }
.LBB2_3:
0x3c: {  	s1 =	sshll.u32 s0, $0xA;
	s3 =	rddreg [dreg:$0xf]  }
0x3d: {  	s4 =	simm.s32 $0x8000;
	s5 =	simm.s32 $0x1B700;
	s8 =	sor.u32 $0x200, s1  }
0x3e: {  	s9 =	simm.s32 $0xFFFFFFFC;
	p0 =	por $0x0, $0x0;
	s3 =	sadd.s32 s8, s3  }
0x3f: {  	[tilespmem:s5], [sflag:$0x3] =	stream.strided.gather [hbm4b:s3+s30], $0x3000, s4, s30, $0x38;
	[tilespmem:$0x1F700] =	vst v63  }
0x40: {  	s24 =	simm.s32 $0x0;
	s25 =	simm.s32 $0x0;
	_ =	swait.ge [sflag:s21], $0x3000  }
0x41: {  	s15 =	simm.s32 $0x0;
	s1 =	sadd.s32 $0x1E700, s1;
	[sflag:s21] =	ssyncset.done $0x0  }
0x42: {  	s4 =	simm.s32 $0x0;
	[dreg:$0x5] =	wrdreg s1;
	[sflag:s21] =	ssyncadd.s32 $0xFFFFD000  }
.LBB2_4:
0x43: {  	s3 =	sand.u32 $0xC00, s15;
	s12 =	sor.u32 s24, s15  }
0x44: {  	s20 =	sand.u32 $0x40, s24;
	s16 =	sadd.s32 $0x18700, s3;
	s13 =	sor.u32 $0x380, s12  }
0x45: {  	s1 =	sor.u32 s20, s16;
	v7 =	vld [tilespmem:s13+$0x18700]  }
0x46: {  	v0 =	vld [tilespmem:s1+$0x0]  }
0x47: {  	v1 =	vld [tilespmem:s1+$0x80]  }
0x48: {  	s17 =	sadd.s32 $0x19700, s3;
	v2 =	vld [tilespmem:s1+$0x100]  }
0x49: {  	s18 =	sadd.s32 $0x19780, s3;
	s14 =	sor.u32 s20, s17;
	v3 =	vld [tilespmem:s1+$0x180]  }
0x4a: {  	s23 =	sadd.s32 $0x19800, s3;
	s19 =	sor.u32 s20, s18;
	v8 =	vld [tilespmem:s14+$0x0]  }
0x4b: {  	s7 =	sadd.s32 $0x19900, s3;
	s26 =	sor.u32 s20, s23;
	v9 =	vld [tilespmem:s19+$0x0]  }
0x4c: {  	s12 =	sor.u32 s20, s7;
	s13 =	sadd.s32 $0x19A00, s3;
	s1 =	simm.s32 $0x1;
	v10 =	vld [tilespmem:s26+$0x0]  }
0x4d: {  	v12 =	vld [tilespmem:s12+$0x0];
	s30 =	sor.u32 s20, s13;
	s14 =	sadd.s32 $0x19A80, s3;
	s1 =	simm.s32 @!p0 $0x0  }
0x4e: {  	s26 =	sadd.s32 $0x1A800, s3;
	v14 =	vld [tilespmem:s30+$0x0];
	s10 =	sor.u32 s20, s14;
	s1 =	sshll.u32 s1, $0x6  }
0x4f: {  	s30 =	sor.u32 s20, s26;
	v15 =	vld [tilespmem:s10+$0x0];
	s1 =	sadd.s32 s1, s15  }
0x50: {  	v39 =	vld [tilespmem:s30+$0x0];
	s5 =	sor.u32 $0x200, s1  }
0x51: {  	s11 =	sor.u32 $0x280, s1;
	v4 =	vld [tilespmem:s5+$0x18700]  }
0x52: {  	s1 =	sor.u32 $0x300, s1;
	v5 =	vld [tilespmem:s11+$0x18700];
	s5 =	sadd.s32 $0x19880, s3  }
0x53: {  	v6 =	vld [tilespmem:s1+$0x18700];
	s28 =	sor.u32 s20, s5  }
0x54: {  	s1 =	sadd.s32 $0x19980, s3;
	v11 =	vld [tilespmem:s28+$0x0]  }
0x55: {  	s29 =	sor.u32 s20, s1;
	v7 =	vld.idx.msk [tilespmem:v7+s6+$0x0], $0xffff  }
0x56: {  	v13 =	vld [tilespmem:s29+$0x0]  }
0x57: {  	v0 =	vld.idx.msk [tilespmem:v0+s6+$0x0], $0xffff  }
0x58: {  	v1 =	vld.idx.msk [tilespmem:v1+s6+$0x0], $0xffff  }
0x59: {  	v2 =	vld.idx.msk [tilespmem:v2+s6+$0x0], $0xffff  }
0x5a: {  	v3 =	vld.idx.msk [tilespmem:v3+s6+$0x0], $0xffff  }
0x5b: {  	v8 =	vld.idx.msk [tilespmem:v8+s6+$0x0], $0xffff  }
0x5c: {  	v9 =	vld.idx.msk [tilespmem:v9+s6+$0x0], $0xffff  }
0x5d: {  	s29 =	sadd.s32 $0x1A700, s3;
	v4 =	vld.idx.msk [tilespmem:v4+s6+$0x0], $0xffff  }
0x5e: {  	s11 =	sor.u32 s20, s29;
	v5 =	vld.idx.msk [tilespmem:v5+s6+$0x0], $0xffff  }
0x5f: {  	s28 =	sadd.s32 $0x1A780, s3;
	v37 =	vld [tilespmem:s11+$0x0]  }
0x60: {  	s19 =	sor.u32 s20, s28;
	v6 =	vld.idx.msk [tilespmem:v6+s6+$0x0], $0xffff  }
0x61: {  	v38 =	vld [tilespmem:s19+$0x0];
	s19 =	sadd.s32 $0x1A880, s3;
	v0 =	vadd.f32 v2, v0;
	v1 =	vadd.f32 v3, v1  }
0x62: {  	v10 =	vld.idx.msk [tilespmem:v10+s6+$0x0], $0xffff;
	s3 =	sor.u32 s20, s19  }
0x63: {  	v40 =	vld [tilespmem:s3+$0x0];
	v0 =	vadd.f32 v4, v0;
	v1 =	vadd.f32 v5, v1  }
0x64: {  	v11 =	vld.idx.msk [tilespmem:v11+s6+$0x0], $0xffff  }
0x65: {  	v41 =	vld.idx.msk [tilespmem:v12+s6+$0x0], $0xffff;
	v0 =	vadd.f32 v6, v0;
	v1 =	vadd.f32 v7, v1  }
0x66: {  	v42 =	vld.idx.msk [tilespmem:v13+s6+$0x0], $0xffff  }
0x67: {  	v43 =	vld.idx.msk [tilespmem:v14+s6+$0x0], $0xffff;
	v0 =	vadd.f32 v8, v0;
	v1 =	vadd.f32 v9, v1  }
0x68: {  	v44 =	vld.idx.msk [tilespmem:v15+s6+$0x0], $0xffff  }
0x69: {  	v2 =	vld.idx.msk [tilespmem:v37+s6+$0x0], $0xffff;
	v0 =	vadd.f32 v10, v0;
	v1 =	vadd.f32 v11, v1  }
0x6a: {  	v3 =	vld.idx.msk [tilespmem:v38+s6+$0x0], $0xffff  }
0x6b: {  	v4 =	vld.idx.msk [tilespmem:v39+s6+$0x0], $0xffff;
	v0 =	vadd.f32 v41, v0;
	v1 =	vadd.f32 v42, v1  }
0x6c: {  	v5 =	vld.idx.msk [tilespmem:v40+s6+$0x0], $0xffff  }
0x6d: {  	v0 =	vadd.f32 v43, v0;
	v1 =	vadd.f32 v44, v1;
	_ =	sdelay $0x1  }
0x6e: {  	v0 =	vadd.f32 v2, v0;
	v1 =	vadd.f32 v3, v1;
	_ =	sdelay $0x1  }
0x6f: {  	v0 =	vadd.f32 v4, v0;
	v1 =	vadd.f32 v5, v1  }
0x70: {  	s10 =	rddreg [dreg:$0x5];
	s11 =	sand.u32 $0x180, s24  }
0x71: {  	s12 =	sadd.s32 s11, s10;
	s10 =	sadd.s32 $0x10, s24;
	v0 =	vadd.f32 v1, v0  }
0x72: {  	s20 =	sadd.s32 s20, s12;
	s3 =	sand.u32 $0x50, s10  }
0x73: {  	s30 =	sor.u32 s3, s16;
	[tilespmem:s20+$0x0] =	vst v0  }
0x74: {  	s11 =	sand.u32 $0x7, s4;
	v0 =	vld [tilespmem:s30+$0x0]  }
0x75: {  	s20 =	sshll.u32 s11, $0x4;
	v45 =	vld [tilespmem:s30+$0x80]  }
0x76: {  	s10 =	sor.u32 s10, s15;
	v46 =	vld [tilespmem:s30+$0x100];
	s20 =	sadd.s32 s15, s20  }
0x77: {  	s10 =	sor.u32 $0x380, s10;
	v47 =	vld [tilespmem:s30+$0x180];
	s11 =	sadd.s32 $0x10, s20  }
0x78: {  	v51 =	vld [tilespmem:s10+$0x18700];
	s30 =	sor.u32 $0x200, s11  }
0x79: {  	v48 =	vld [tilespmem:s30+$0x18700];
	s30 =	sor.u32 $0x280, s11  }
0x7a: {  	s11 =	sor.u32 $0x300, s11;
	v49 =	vld [tilespmem:s30+$0x18700]  }
0x7b: {  	v50 =	vld [tilespmem:s11+$0x18700];
	s30 =	sor.u32 s3, s17  }
0x7c: {  	s11 =	sor.u32 s3, s18;
	v52 =	vld [tilespmem:s30+$0x0]  }
0x7d: {  	v53 =	vld [tilespmem:s11+$0x0];
	s30 =	sor.u32 s3, s23  }
0x7e: {  	s11 =	sor.u32 s3, s5;
	v54 =	vld [tilespmem:s30+$0x0]  }
0x7f: {  	v55 =	vld [tilespmem:s11+$0x0];
	s30 =	sor.u32 s3, s7  }
0x80: {  	s11 =	sor.u32 s3, s1;
	v56 =	vld [tilespmem:s30+$0x0]  }
0x81: {  	v57 =	vld [tilespmem:s11+$0x0]  }
0x82: {  	v0 =	vld.idx.msk [tilespmem:v0+s6+$0x0], $0xffff  }
0x83: {  	v1 =	vld.idx.msk [tilespmem:v45+s6+$0x0], $0xffff  }
0x84: {  	v2 =	vld.idx.msk [tilespmem:v46+s6+$0x0], $0xffff  }
0x85: {  	v3 =	vld.idx.msk [tilespmem:v47+s6+$0x0], $0xffff  }
0x86: {  	s30 =	sor.u32 s3, s13;
	v7 =	vld.idx.msk [tilespmem:v51+s6+$0x0], $0xffff  }
0x87: {  	s11 =	sor.u32 s3, s14;
	v58 =	vld [tilespmem:s30+$0x0]  }
0x88: {  	v59 =	vld [tilespmem:s11+$0x0];
	s30 =	sor.u32 s3, s29  }
0x89: {  	s11 =	sor.u32 s3, s28;
	v60 =	vld [tilespmem:s30+$0x0]  }
0x8a: {  	v61 =	vld [tilespmem:s11+$0x0];
	s30 =	sor.u32 s3, s26  }
0x8b: {  	v62 =	vld [tilespmem:s30+$0x0]  }
0x8c: {  	v4 =	vld.idx.msk [tilespmem:v48+s6+$0x0], $0xffff  }
0x8d: {  	s11 =	sor.u32 s3, s19;
	v5 =	vld.idx.msk [tilespmem:v49+s6+$0x0], $0xffff  }
0x8e: {  	v63 =	vld [tilespmem:s11+$0x0]  }
0x8f: {  	v6 =	vld.idx.msk [tilespmem:v50+s6+$0x0], $0xffff  }
0x90: {  	v8 =	vld.idx.msk [tilespmem:v52+s6+$0x0], $0xffff;
	v0 =	vadd.f32 v2, v0;
	v1 =	vadd.f32 v3, v1  }
0x91: {  	v9 =	vld.idx.msk [tilespmem:v53+s6+$0x0], $0xffff  }
0x92: {  	v10 =	vld.idx.msk [tilespmem:v54+s6+$0x0], $0xffff;
	v0 =	vadd.f32 v4, v0;
	v1 =	vadd.f32 v5, v1  }
0x93: {  	v11 =	vld.idx.msk [tilespmem:v55+s6+$0x0], $0xffff  }
0x94: {  	v12 =	vld.idx.msk [tilespmem:v56+s6+$0x0], $0xffff;
	v0 =	vadd.f32 v6, v0;
	v1 =	vadd.f32 v7, v1  }
0x95: {  	v13 =	vld.idx.msk [tilespmem:v57+s6+$0x0], $0xffff  }
0x96: {  	v16 =	vld.idx.msk [tilespmem:v58+s6+$0x0], $0xffff;
	v0 =	vadd.f32 v8, v0;
	v1 =	vadd.f32 v9, v1  }
0x97: {  	v17 =	vld.idx.msk [tilespmem:v59+s6+$0x0], $0xffff  }
0x98: {  	v2 =	vld.idx.msk [tilespmem:v60+s6+$0x0], $0xffff;
	v0 =	vadd.f32 v10, v0;
	v1 =	vadd.f32 v11, v1  }
0x99: {  	v3 =	vld.idx.msk [tilespmem:v61+s6+$0x0], $0xffff  }
0x9a: {  	v4 =	vld.idx.msk [tilespmem:v62+s6+$0x0], $0xffff;
	v0 =	vadd.f32 v12, v0;
	v1 =	vadd.f32 v13, v1  }
0x9b: {  	v5 =	vld.idx.msk [tilespmem:v63+s6+$0x0], $0xffff  }
0x9c: {  	v0 =	vadd.f32 v16, v0;
	v1 =	vadd.f32 v17, v1;
	_ =	sdelay $0x1  }
0x9d: {  	v0 =	vadd.f32 v2, v0;
	v1 =	vadd.f32 v3, v1;
	_ =	sdelay $0x1  }
0x9e: {  	v0 =	vadd.f32 v4, v0;
	v1 =	vadd.f32 v5, v1;
	_ =	sdelay $0x1  }
0x9f: {  	s10 =	sadd.s32 $0x20, s24;
	v0 =	vadd.f32 v1, v0  }
0xa0: {  	s30 =	sadd.s32 s3, s12;
	s3 =	sand.u32 $0x60, s10  }
0xa1: {  	[tilespmem:s30+$0x0] =	vst v0;
	s30 =	sor.u32 s3, s16  }
0xa2: {  	v0 =	vld [tilespmem:s30+$0x0]  }
0xa3: {  	v18 =	vld [tilespmem:s30+$0x80]  }
0xa4: {  	v19 =	vld [tilespmem:s30+$0x100]  }
0xa5: {  	v20 =	vld [tilespmem:s30+$0x180];
	s30 =	sand.u32 $0x3, s25  }
0xa6: {  	s11 =	sshll.u32 s30, $0x5  }
0xa7: {  	s10 =	sor.u32 s10, s15;
	s11 =	sadd.s32 s15, s11  }
0xa8: {  	s10 =	sor.u32 $0x380, s10;
	s11 =	sadd.s32 $0x20, s11  }
0xa9: {  	v24 =	vld [tilespmem:s10+$0x18700];
	s30 =	sor.u32 $0x200, s11  }
0xaa: {  	v21 =	vld [tilespmem:s30+$0x18700];
	s30 =	sor.u32 $0x280, s11  }
0xab: {  	s11 =	sor.u32 $0x300, s11;
	v22 =	vld [tilespmem:s30+$0x18700]  }
0xac: {  	v23 =	vld [tilespmem:s11+$0x18700];
	s30 =	sor.u32 s3, s17  }
0xad: {  	s11 =	sor.u32 s3, s18;
	v25 =	vld [tilespmem:s30+$0x0]  }
0xae: {  	v26 =	vld [tilespmem:s11+$0x0]  }
0xaf: {  	v0 =	vld.idx.msk [tilespmem:v0+s6+$0x0], $0xffff  }
0xb0: {  	v1 =	vld.idx.msk [tilespmem:v18+s6+$0x0], $0xffff  }
0xb1: {  	v2 =	vld.idx.msk [tilespmem:v19+s6+$0x0], $0xffff  }
0xb2: {  	s30 =	sor.u32 s3, s23;
	v3 =	vld.idx.msk [tilespmem:v20+s6+$0x0], $0xffff  }
0xb3: {  	s11 =	sor.u32 s3, s5;
	v27 =	vld [tilespmem:s30+$0x0]  }
0xb4: {  	v28 =	vld [tilespmem:s11+$0x0]  }
0xb5: {  	v7 =	vld.idx.msk [tilespmem:v24+s6+$0x0], $0xffff;
	s30 =	sor.u32 s3, s7  }
0xb6: {  	s11 =	sor.u32 s3, s1;
	v29 =	vld [tilespmem:s30+$0x0]  }
0xb7: {  	v30 =	vld [tilespmem:s11+$0x0];
	s30 =	sor.u32 s3, s13  }
0xb8: {  	s11 =	sor.u32 s3, s14;
	v31 =	vld [tilespmem:s30+$0x0]  }
0xb9: {  	v32 =	vld [tilespmem:s11+$0x0];
	s30 =	sor.u32 s3, s29  }
0xba: {  	s11 =	sor.u32 s3, s28;
	v33 =	vld [tilespmem:s30+$0x0]  }
0xbb: {  	v34 =	vld [tilespmem:s11+$0x0];
	s30 =	sor.u32 s3, s26  }
0xbc: {  	v35 =	vld [tilespmem:s30+$0x0]  }
0xbd: {  	v4 =	vld.idx.msk [tilespmem:v21+s6+$0x0], $0xffff  }
0xbe: {  	s11 =	sor.u32 s3, s19;
	v5 =	vld.idx.msk [tilespmem:v22+s6+$0x0], $0xffff  }
0xbf: {  	v36 =	vld [tilespmem:s11+$0x0]  }
0xc0: {  	v6 =	vld.idx.msk [tilespmem:v23+s6+$0x0], $0xffff  }
0xc1: {  	v0 =	vadd.f32 v2, v0;
	v1 =	vadd.f32 v3, v1;
	v8 =	vld.idx.msk [tilespmem:v25+s6+$0x0], $0xffff  }
0xc2: {  	v9 =	vld.idx.msk [tilespmem:v26+s6+$0x0], $0xffff  }
0xc3: {  	v10 =	vld.idx.msk [tilespmem:v27+s6+$0x0], $0xffff;
	v0 =	vadd.f32 v4, v0;
	v1 =	vadd.f32 v5, v1  }
0xc4: {  	v11 =	vld.idx.msk [tilespmem:v28+s6+$0x0], $0xffff  }
0xc5: {  	v37 =	vld.idx.msk [tilespmem:v29+s6+$0x0], $0xffff;
	v0 =	vadd.f32 v6, v0;
	v1 =	vadd.f32 v7, v1  }
0xc6: {  	v38 =	vld.idx.msk [tilespmem:v30+s6+$0x0], $0xffff  }
0xc7: {  	v39 =	vld.idx.msk [tilespmem:v31+s6+$0x0], $0xffff;
	v0 =	vadd.f32 v8, v0;
	v1 =	vadd.f32 v9, v1  }
0xc8: {  	v40 =	vld.idx.msk [tilespmem:v32+s6+$0x0], $0xffff  }
0xc9: {  	v2 =	vld.idx.msk [tilespmem:v33+s6+$0x0], $0xffff;
	v0 =	vadd.f32 v10, v0;
	v1 =	vadd.f32 v11, v1  }
0xca: {  	v3 =	vld.idx.msk [tilespmem:v34+s6+$0x0], $0xffff  }
0xcb: {  	v4 =	vld.idx.msk [tilespmem:v35+s6+$0x0], $0xffff;
	v0 =	vadd.f32 v37, v0;
	v1 =	vadd.f32 v38, v1  }
0xcc: {  	v5 =	vld.idx.msk [tilespmem:v36+s6+$0x0], $0xffff  }
0xcd: {  	v0 =	vadd.f32 v39, v0;
	v1 =	vadd.f32 v40, v1;
	_ =	sdelay $0x1  }
0xce: {  	v0 =	vadd.f32 v2, v0;
	v1 =	vadd.f32 v3, v1;
	_ =	sdelay $0x1  }
0xcf: {  	v0 =	vadd.f32 v4, v0;
	v1 =	vadd.f32 v5, v1;
	_ =	sdelay $0x1  }
0xd0: {  	s10 =	sadd.s32 $0x30, s24;
	v0 =	vadd.f32 v1, v0  }
0xd1: {  	s30 =	sadd.s32 s3, s12;
	s3 =	sand.u32 $0x70, s10  }
0xd2: {  	s16 =	sor.u32 s3, s16;
	[tilespmem:s30+$0x0] =	vst v0  }
0xd3: {  	v0 =	vld [tilespmem:s16+$0x0]  }
0xd4: {  	v41 =	vld [tilespmem:s16+$0x80]  }
0xd5: {  	s11 =	sadd.s32 $0x30, s20;
	v42 =	vld [tilespmem:s16+$0x100]  }
0xd6: {  	s20 =	sor.u32 $0x200, s11;
	v43 =	vld [tilespmem:s16+$0x180]  }
0xd7: {  	s30 =	sor.u32 $0x280, s11;
	v44 =	vld [tilespmem:s20+$0x18700]  }
0xd8: {  	s10 =	sor.u32 s10, s15;
	s11 =	sor.u32 $0x300, s11;
	v45 =	vld [tilespmem:s30+$0x18700]  }
0xd9: {  	s10 =	sor.u32 $0x380, s10;
	v46 =	vld [tilespmem:s11+$0x18700]  }
0xda: {  	s5 =	sor.u32 s3, s5;
	v47 =	vld [tilespmem:s10+$0x18700]  }
0xdb: {  	s1 =	sor.u32 s3, s1;
	v51 =	vld [tilespmem:s5+$0x0]  }
0xdc: {  	s20 =	sor.u32 s3, s17;
	v53 =	vld [tilespmem:s1+$0x0]  }
0xdd: {  	s30 =	sor.u32 s3, s18;
	v48 =	vld [tilespmem:s20+$0x0]  }
0xde: {  	s11 =	sor.u32 s3, s23;
	v49 =	vld [tilespmem:s30+$0x0]  }
0xdf: {  	s16 =	sor.u32 s3, s7;
	v50 =	vld [tilespmem:s11+$0x0]  }
0xe0: {  	s17 =	sor.u32 s3, s13;
	v52 =	vld [tilespmem:s16+$0x0]  }
0xe1: {  	s18 =	sor.u32 s3, s14;
	v54 =	vld [tilespmem:s17+$0x0]  }
0xe2: {  	s23 =	sor.u32 s3, s28;
	v55 =	vld [tilespmem:s18+$0x0]  }
0xe3: {  	s28 =	sor.u32 s3, s26;
	v57 =	vld [tilespmem:s23+$0x0]  }
0xe4: {  	s20 =	sor.u32 s3, s29;
	v58 =	vld [tilespmem:s28+$0x0]  }
0xe5: {  	s29 =	sor.u32 s3, s19;
	v56 =	vld [tilespmem:s20+$0x0]  }
0xe6: {  	v59 =	vld [tilespmem:s29+$0x0]  }
0xe7: {  	v0 =	vld.idx.msk [tilespmem:v0+s6+$0x0], $0xffff  }
0xe8: {  	v1 =	vld.idx.msk [tilespmem:v41+s6+$0x0], $0xffff  }
0xe9: {  	v2 =	vld.idx.msk [tilespmem:v42+s6+$0x0], $0xffff  }
0xea: {  	v3 =	vld.idx.msk [tilespmem:v43+s6+$0x0], $0xffff  }
0xeb: {  	v4 =	vld.idx.msk [tilespmem:v44+s6+$0x0], $0xffff  }
0xec: {  	v5 =	vld.idx.msk [tilespmem:v45+s6+$0x0], $0xffff  }
0xed: {  	v6 =	vld.idx.msk [tilespmem:v46+s6+$0x0], $0xffff  }
0xee: {  	v7 =	vld.idx.msk [tilespmem:v47+s6+$0x0], $0xffff  }
0xef: {  	v8 =	vld.idx.msk [tilespmem:v48+s6+$0x0], $0xffff;
	v0 =	vadd.f32 v2, v0;
	v1 =	vadd.f32 v3, v1  }
0xf0: {  	v9 =	vld.idx.msk [tilespmem:v49+s6+$0x0], $0xffff  }
0xf1: {  	v11 =	vld.idx.msk [tilespmem:v51+s6+$0x0], $0xffff;
	v0 =	vadd.f32 v4, v0;
	v1 =	vadd.f32 v5, v1  }
0xf2: {  	v10 =	vld.idx.msk [tilespmem:v50+s6+$0x0], $0xffff  }
0xf3: {  	v61 =	vld.idx.msk [tilespmem:v53+s6+$0x0], $0xffff;
	v0 =	vadd.f32 v6, v0;
	v1 =	vadd.f32 v7, v1  }
0xf4: {  	v60 =	vld.idx.msk [tilespmem:v52+s6+$0x0], $0xffff  }
0xf5: {  	v62 =	vld.idx.msk [tilespmem:v54+s6+$0x0], $0xffff;
	v0 =	vadd.f32 v8, v0;
	v1 =	vadd.f32 v9, v1  }
0xf6: {  	v63 =	vld.idx.msk [tilespmem:v55+s6+$0x0], $0xffff  }
0xf7: {  	v2 =	vld.idx.msk [tilespmem:v56+s6+$0x0], $0xffff;
	v0 =	vadd.f32 v10, v0;
	v1 =	vadd.f32 v11, v1  }
0xf8: {  	v3 =	vld.idx.msk [tilespmem:v57+s6+$0x0], $0xffff  }
0xf9: {  	v4 =	vld.idx.msk [tilespmem:v58+s6+$0x0], $0xffff;
	v0 =	vadd.f32 v60, v0;
	v1 =	vadd.f32 v61, v1  }
0xfa: {  	v5 =	vld.idx.msk [tilespmem:v59+s6+$0x0], $0xffff  }
0xfb: {  	v0 =	vadd.f32 v62, v0;
	v1 =	vadd.f32 v63, v1;
	_ =	sdelay $0x1  }
0xfc: {  	s9 =	sadd.s32 $0x4, s9;
	v0 =	vadd.f32 v2, v0;
	v1 =	vadd.f32 v3, v1  }
0xfd: {  	p1 =	slt.u32 s9, $0x1C  }
.Ltmp0:
0xfe: {  	v0 =	vadd.f32 v4, v0;
	v1 =	vadd.f32 v5, v1;
	(pc) =	sbr.rel @p1 .LBB2_4-.Ltmp0, $4  }
0xff: {  	_ = 	snop  }
0x100: {  	v0 =	vadd.f32 v1, v0  }
0x101: {  	p0 =	por !p0, !p0;
	s4 =	sadd.s32 $0x4, s4;
	s30 =	sadd.s32 s3, s12  }
0x102: {  	s25 =	sadd.s32 $0x2, s25;
	s24 =	sadd.s32 $0x40, s24;
	s15 =	sadd.s32 $0x200, s15;
	[tilespmem:s30+$0x0] =	vst v0  }
0x103: {  	s1 =	sshll.u32 s0, $0xD  }
0x104: {  	p0 =	seq.s32 s0, $0x3;
	s1 =	sadd.s32 s1, s31  }
0x105: {  	s3 =	rddreg [dreg:$0x2];
	s30 =	simm.s32 $0x1000;
	s1 =	sshrl.u32 s1, $0x3  }
0x106: {  	s28 =	simm.s32 $0x8000;
	s4 =	simm.s32 $0x18700;
	s1 =	smov.u32 @p0 s2  }
0x107: {  	s29 =	sadd.s32 $0x1E700, s8;
	s8 =	simm.s32 $0xFFFFFFFC;
	s1 =	sadd.s32 s3, s1  }
0x108: {  	[tilespmem:s4], [sflag:$0x2] =	stream.strided.gather [hbm4b:s1+s30], $0x3000, s28, s30, $0x38;
	[tilespmem:$0x1F700] =	vst v63  }
0x109: {  	s9 =	simm.s32 $0x0;
	s24 =	simm.s32 $0x0;
	_ =	swait.ge [sflag:s22], $0x3000  }
0x10a: {  	s15 =	simm.s32 $0x0;
	p0 =	por $0x0, $0x0;
	[sflag:s22] =	ssyncset.done $0x0  }
0x10b: {  	s4 =	simm.s32 $0x0;
	[dreg:$0x6] =	wrdreg s29;
	[sflag:s22] =	ssyncadd.s32 $0xFFFFD000  }
.LBB2_6:
0x10c: {  	s3 =	sand.u32 $0xC00, s15;
	s12 =	sor.u32 s9, s15  }
0x10d: {  	s20 =	sand.u32 $0x40, s9;
	s16 =	sadd.s32 $0x1B700, s3;
	s13 =	sor.u32 $0x380, s12  }
0x10e: {  	s1 =	sor.u32 s20, s16;
	v7 =	vld [tilespmem:s13+$0x1B700]  }
0x10f: {  	v0 =	vld [tilespmem:s1+$0x0]  }
0x110: {  	v1 =	vld [tilespmem:s1+$0x80]  }
0x111: {  	s17 =	sadd.s32 $0x1C700, s3;
	v2 =	vld [tilespmem:s1+$0x100]  }
0x112: {  	s18 =	sadd.s32 $0x1C780, s3;
	s14 =	sor.u32 s20, s17;
	v3 =	vld [tilespmem:s1+$0x180]  }
0x113: {  	s23 =	sadd.s32 $0x1C800, s3;
	s19 =	sor.u32 s20, s18;
	v8 =	vld [tilespmem:s14+$0x0]  }
0x114: {  	s7 =	sadd.s32 $0x1C900, s3;
	s25 =	sor.u32 s20, s23;
	s1 =	simm.s32 $0x1;
	v9 =	vld [tilespmem:s19+$0x0]  }
0x115: {  	s10 =	sor.u32 s20, s7;
	s13 =	sadd.s32 $0x1CA00, s3;
	v10 =	vld [tilespmem:s25+$0x0];
	s1 =	simm.s32 @!p0 $0x0  }
0x116: {  	v12 =	vld [tilespmem:s10+$0x0];
	s29 =	sor.u32 s20, s13;
	s25 =	sadd.s32 $0x1D780, s3;
	s1 =	sshll.u32 s1, $0x6  }
0x117: {  	v14 =	vld [tilespmem:s29+$0x0];
	s19 =	sor.u32 s20, s25;
	s1 =	sadd.s32 s1, s15  }
0x118: {  	v38 =	vld [tilespmem:s19+$0x0];
	s5 =	sor.u32 $0x200, s1  }
0x119: {  	s11 =	sor.u32 $0x280, s1;
	v4 =	vld [tilespmem:s5+$0x1B700]  }
0x11a: {  	s14 =	sadd.s32 $0x1CA80, s3;
	s1 =	sor.u32 $0x300, s1;
	v5 =	vld [tilespmem:s11+$0x1B700]  }
0x11b: {  	v6 =	vld [tilespmem:s1+$0x1B700];
	s5 =	sadd.s32 $0x1C880, s3;
	s11 =	sor.u32 s20, s14  }
0x11c: {  	s26 =	sor.u32 s20, s5;
	v15 =	vld [tilespmem:s11+$0x0]  }
0x11d: {  	s1 =	sadd.s32 $0x1C980, s3;
	v11 =	vld [tilespmem:s26+$0x0]  }
0x11e: {  	s28 =	sor.u32 s20, s1;
	v7 =	vld.idx.msk [tilespmem:v7+s6+$0x0], $0xffff  }
0x11f: {  	v13 =	vld [tilespmem:s28+$0x0]  }
0x120: {  	v0 =	vld.idx.msk [tilespmem:v0+s6+$0x0], $0xffff  }
0x121: {  	v1 =	vld.idx.msk [tilespmem:v1+s6+$0x0], $0xffff  }
0x122: {  	v2 =	vld.idx.msk [tilespmem:v2+s6+$0x0], $0xffff  }
0x123: {  	v3 =	vld.idx.msk [tilespmem:v3+s6+$0x0], $0xffff  }
0x124: {  	v8 =	vld.idx.msk [tilespmem:v8+s6+$0x0], $0xffff  }
0x125: {  	v9 =	vld.idx.msk [tilespmem:v9+s6+$0x0], $0xffff  }
0x126: {  	v4 =	vld.idx.msk [tilespmem:v4+s6+$0x0], $0xffff  }
0x127: {  	v5 =	vld.idx.msk [tilespmem:v5+s6+$0x0], $0xffff  }
0x128: {  	s19 =	sadd.s32 $0x1D880, s3;
	v10 =	vld.idx.msk [tilespmem:v10+s6+$0x0], $0xffff  }
0x129: {  	s28 =	sadd.s32 $0x1D700, s3;
	s26 =	sadd.s32 $0x1D800, s3;
	s3 =	sor.u32 s20, s19;
	v6 =	vld.idx.msk [tilespmem:v6+s6+$0x0], $0xffff  }
0x12a: {  	s12 =	sor.u32 s20, s28;
	v40 =	vld [tilespmem:s3+$0x0];
	v0 =	vadd.f32 v2, v0;
	v1 =	vadd.f32 v3, v1  }
0x12b: {  	s29 =	sor.u32 s20, s26;
	v37 =	vld [tilespmem:s12+$0x0]  }
0x12c: {  	v39 =	vld [tilespmem:s29+$0x0];
	v0 =	vadd.f32 v4, v0;
	v1 =	vadd.f32 v5, v1  }
0x12d: {  	v11 =	vld.idx.msk [tilespmem:v11+s6+$0x0], $0xffff  }
0x12e: {  	v41 =	vld.idx.msk [tilespmem:v12+s6+$0x0], $0xffff;
	v0 =	vadd.f32 v6, v0;
	v1 =	vadd.f32 v7, v1  }
0x12f: {  	v42 =	vld.idx.msk [tilespmem:v13+s6+$0x0], $0xffff  }
0x130: {  	v43 =	vld.idx.msk [tilespmem:v14+s6+$0x0], $0xffff;
	v0 =	vadd.f32 v8, v0;
	v1 =	vadd.f32 v9, v1  }
0x131: {  	v44 =	vld.idx.msk [tilespmem:v15+s6+$0x0], $0xffff  }
0x132: {  	v3 =	vld.idx.msk [tilespmem:v38+s6+$0x0], $0xffff;
	v0 =	vadd.f32 v10, v0;
	v1 =	vadd.f32 v11, v1  }
0x133: {  	v2 =	vld.idx.msk [tilespmem:v37+s6+$0x0], $0xffff  }
0x134: {  	v4 =	vld.idx.msk [tilespmem:v39+s6+$0x0], $0xffff;
	v0 =	vadd.f32 v41, v0;
	v1 =	vadd.f32 v42, v1  }
0x135: {  	v5 =	vld.idx.msk [tilespmem:v40+s6+$0x0], $0xffff  }
0x136: {  	v0 =	vadd.f32 v43, v0;
	v1 =	vadd.f32 v44, v1;
	_ =	sdelay $0x1  }
0x137: {  	v0 =	vadd.f32 v2, v0;
	v1 =	vadd.f32 v3, v1;
	_ =	sdelay $0x1  }
0x138: {  	v0 =	vadd.f32 v4, v0;
	v1 =	vadd.f32 v5, v1  }
0x139: {  	s11 =	rddreg [dreg:$0x6];
	s12 =	sand.u32 $0x180, s9  }
0x13a: {  	s10 =	sadd.s32 $0x10, s9;
	s12 =	sadd.s32 s12, s11;
	v0 =	vadd.f32 v1, v0  }
0x13b: {  	s3 =	sand.u32 $0x50, s10;
	s11 =	sadd.s32 s20, s12  }
0x13c: {  	s29 =	sor.u32 s3, s16;
	[tilespmem:s11+$0x0] =	vst v0  }
0x13d: {  	s20 =	sand.u32 $0x7, s4;
	v0 =	vld [tilespmem:s29+$0x0]  }
0x13e: {  	s11 =	sshll.u32 s20, $0x4;
	v45 =	vld [tilespmem:s29+$0x80]  }
0x13f: {  	s10 =	sor.u32 s10, s15;
	v46 =	vld [tilespmem:s29+$0x100];
	s20 =	sadd.s32 s15, s11  }
0x140: {  	s10 =	sor.u32 $0x380, s10;
	v47 =	vld [tilespmem:s29+$0x180];
	s11 =	sadd.s32 $0x10, s20  }
0x141: {  	v51 =	vld [tilespmem:s10+$0x1B700];
	s29 =	sor.u32 $0x200, s11  }
0x142: {  	v48 =	vld [tilespmem:s29+$0x1B700];
	s29 =	sor.u32 $0x280, s11  }
0x143: {  	s11 =	sor.u32 $0x300, s11;
	v49 =	vld [tilespmem:s29+$0x1B700]  }
0x144: {  	v50 =	vld [tilespmem:s11+$0x1B700];
	s29 =	sor.u32 s3, s17  }
0x145: {  	s11 =	sor.u32 s3, s18;
	v52 =	vld [tilespmem:s29+$0x0]  }
0x146: {  	v53 =	vld [tilespmem:s11+$0x0];
	s29 =	sor.u32 s3, s23  }
0x147: {  	s11 =	sor.u32 s3, s5;
	v54 =	vld [tilespmem:s29+$0x0]  }
0x148: {  	v55 =	vld [tilespmem:s11+$0x0];
	s29 =	sor.u32 s3, s7  }
0x149: {  	s11 =	sor.u32 s3, s1;
	v56 =	vld [tilespmem:s29+$0x0]  }
0x14a: {  	v57 =	vld [tilespmem:s11+$0x0]  }
0x14b: {  	v0 =	vld.idx.msk [tilespmem:v0+s6+$0x0], $0xffff  }
0x14c: {  	v1 =	vld.idx.msk [tilespmem:v45+s6+$0x0], $0xffff  }
0x14d: {  	v2 =	vld.idx.msk [tilespmem:v46+s6+$0x0], $0xffff  }
0x14e: {  	v3 =	vld.idx.msk [tilespmem:v47+s6+$0x0], $0xffff  }
0x14f: {  	s29 =	sor.u32 s3, s13;
	v7 =	vld.idx.msk [tilespmem:v51+s6+$0x0], $0xffff  }
0x150: {  	s11 =	sor.u32 s3, s14;
	v58 =	vld [tilespmem:s29+$0x0]  }
0x151: {  	v59 =	vld [tilespmem:s11+$0x0];
	s29 =	sor.u32 s3, s28  }
0x152: {  	s11 =	sor.u32 s3, s25;
	v60 =	vld [tilespmem:s29+$0x0]  }
0x153: {  	v61 =	vld [tilespmem:s11+$0x0];
	s29 =	sor.u32 s3, s26  }
0x154: {  	v62 =	vld [tilespmem:s29+$0x0]  }
0x155: {  	v4 =	vld.idx.msk [tilespmem:v48+s6+$0x0], $0xffff  }
0x156: {  	s11 =	sor.u32 s3, s19;
	v5 =	vld.idx.msk [tilespmem:v49+s6+$0x0], $0xffff  }
0x157: {  	v63 =	vld [tilespmem:s11+$0x0]  }
0x158: {  	v6 =	vld.idx.msk [tilespmem:v50+s6+$0x0], $0xffff  }
0x159: {  	v8 =	vld.idx.msk [tilespmem:v52+s6+$0x0], $0xffff;
	v0 =	vadd.f32 v2, v0;
	v1 =	vadd.f32 v3, v1  }
0x15a: {  	v9 =	vld.idx.msk [tilespmem:v53+s6+$0x0], $0xffff  }
0x15b: {  	v10 =	vld.idx.msk [tilespmem:v54+s6+$0x0], $0xffff;
	v0 =	vadd.f32 v4, v0;
	v1 =	vadd.f32 v5, v1  }
0x15c: {  	v11 =	vld.idx.msk [tilespmem:v55+s6+$0x0], $0xffff  }
0x15d: {  	v12 =	vld.idx.msk [tilespmem:v56+s6+$0x0], $0xffff;
	v0 =	vadd.f32 v6, v0;
	v1 =	vadd.f32 v7, v1  }
0x15e: {  	v13 =	vld.idx.msk [tilespmem:v57+s6+$0x0], $0xffff  }
0x15f: {  	v16 =	vld.idx.msk [tilespmem:v58+s6+$0x0], $0xffff;
	v0 =	vadd.f32 v8, v0;
	v1 =	vadd.f32 v9, v1  }
0x160: {  	v17 =	vld.idx.msk [tilespmem:v59+s6+$0x0], $0xffff  }
0x161: {  	v2 =	vld.idx.msk [tilespmem:v60+s6+$0x0], $0xffff;
	v0 =	vadd.f32 v10, v0;
	v1 =	vadd.f32 v11, v1  }
0x162: {  	v3 =	vld.idx.msk [tilespmem:v61+s6+$0x0], $0xffff  }
0x163: {  	v4 =	vld.idx.msk [tilespmem:v62+s6+$0x0], $0xffff;
	v0 =	vadd.f32 v12, v0;
	v1 =	vadd.f32 v13, v1  }
0x164: {  	v5 =	vld.idx.msk [tilespmem:v63+s6+$0x0], $0xffff  }
0x165: {  	v0 =	vadd.f32 v16, v0;
	v1 =	vadd.f32 v17, v1;
	_ =	sdelay $0x1  }
0x166: {  	v0 =	vadd.f32 v2, v0;
	v1 =	vadd.f32 v3, v1;
	_ =	sdelay $0x1  }
0x167: {  	v0 =	vadd.f32 v4, v0;
	v1 =	vadd.f32 v5, v1;
	_ =	sdelay $0x1  }
0x168: {  	s10 =	sadd.s32 $0x20, s9;
	v0 =	vadd.f32 v1, v0  }
0x169: {  	s29 =	sadd.s32 s3, s12;
	s3 =	sand.u32 $0x60, s10  }
0x16a: {  	[tilespmem:s29+$0x0] =	vst v0;
	s29 =	sor.u32 s3, s16  }
0x16b: {  	v0 =	vld [tilespmem:s29+$0x0]  }
0x16c: {  	v18 =	vld [tilespmem:s29+$0x80]  }
0x16d: {  	v19 =	vld [tilespmem:s29+$0x100]  }
0x16e: {  	v20 =	vld [tilespmem:s29+$0x180];
	s29 =	sand.u32 $0x3, s24  }
0x16f: {  	s11 =	sshll.u32 s29, $0x5  }
0x170: {  	s10 =	sor.u32 s10, s15;
	s11 =	sadd.s32 s15, s11  }
0x171: {  	s10 =	sor.u32 $0x380, s10;
	s11 =	sadd.s32 $0x20, s11  }
0x172: {  	v24 =	vld [tilespmem:s10+$0x1B700];
	s29 =	sor.u32 $0x200, s11  }
0x173: {  	v21 =	vld [tilespmem:s29+$0x1B700];
	s29 =	sor.u32 $0x280, s11  }
0x174: {  	s11 =	sor.u32 $0x300, s11;
	v22 =	vld [tilespmem:s29+$0x1B700]  }
0x175: {  	v23 =	vld [tilespmem:s11+$0x1B700];
	s29 =	sor.u32 s3, s17  }
0x176: {  	s11 =	sor.u32 s3, s18;
	v25 =	vld [tilespmem:s29+$0x0]  }
0x177: {  	v26 =	vld [tilespmem:s11+$0x0]  }
0x178: {  	v0 =	vld.idx.msk [tilespmem:v0+s6+$0x0], $0xffff  }
0x179: {  	v1 =	vld.idx.msk [tilespmem:v18+s6+$0x0], $0xffff  }
0x17a: {  	v2 =	vld.idx.msk [tilespmem:v19+s6+$0x0], $0xffff  }
0x17b: {  	s29 =	sor.u32 s3, s23;
	v3 =	vld.idx.msk [tilespmem:v20+s6+$0x0], $0xffff  }
0x17c: {  	s11 =	sor.u32 s3, s5;
	v27 =	vld [tilespmem:s29+$0x0]  }
0x17d: {  	v28 =	vld [tilespmem:s11+$0x0]  }
0x17e: {  	v7 =	vld.idx.msk [tilespmem:v24+s6+$0x0], $0xffff;
	s29 =	sor.u32 s3, s7  }
0x17f: {  	s11 =	sor.u32 s3, s1;
	v29 =	vld [tilespmem:s29+$0x0]  }
0x180: {  	v30 =	vld [tilespmem:s11+$0x0];
	s29 =	sor.u32 s3, s13  }
0x181: {  	s11 =	sor.u32 s3, s14;
	v31 =	vld [tilespmem:s29+$0x0]  }
0x182: {  	v32 =	vld [tilespmem:s11+$0x0];
	s29 =	sor.u32 s3, s28  }
0x183: {  	s11 =	sor.u32 s3, s25;
	v33 =	vld [tilespmem:s29+$0x0]  }
0x184: {  	v34 =	vld [tilespmem:s11+$0x0];
	s29 =	sor.u32 s3, s26  }
0x185: {  	v35 =	vld [tilespmem:s29+$0x0]  }
0x186: {  	v4 =	vld.idx.msk [tilespmem:v21+s6+$0x0], $0xffff  }
0x187: {  	s11 =	sor.u32 s3, s19;
	v5 =	vld.idx.msk [tilespmem:v22+s6+$0x0], $0xffff  }
0x188: {  	v36 =	vld [tilespmem:s11+$0x0]  }
0x189: {  	v6 =	vld.idx.msk [tilespmem:v23+s6+$0x0], $0xffff  }
0x18a: {  	v0 =	vadd.f32 v2, v0;
	v1 =	vadd.f32 v3, v1;
	v8 =	vld.idx.msk [tilespmem:v25+s6+$0x0], $0xffff  }
0x18b: {  	v9 =	vld.idx.msk [tilespmem:v26+s6+$0x0], $0xffff  }
0x18c: {  	v10 =	vld.idx.msk [tilespmem:v27+s6+$0x0], $0xffff;
	v0 =	vadd.f32 v4, v0;
	v1 =	vadd.f32 v5, v1  }
0x18d: {  	v11 =	vld.idx.msk [tilespmem:v28+s6+$0x0], $0xffff  }
0x18e: {  	v37 =	vld.idx.msk [tilespmem:v29+s6+$0x0], $0xffff;
	v0 =	vadd.f32 v6, v0;
	v1 =	vadd.f32 v7, v1  }
0x18f: {  	v38 =	vld.idx.msk [tilespmem:v30+s6+$0x0], $0xffff  }
0x190: {  	v39 =	vld.idx.msk [tilespmem:v31+s6+$0x0], $0xffff;
	v0 =	vadd.f32 v8, v0;
	v1 =	vadd.f32 v9, v1  }
0x191: {  	v40 =	vld.idx.msk [tilespmem:v32+s6+$0x0], $0xffff  }
0x192: {  	v2 =	vld.idx.msk [tilespmem:v33+s6+$0x0], $0xffff;
	v0 =	vadd.f32 v10, v0;
	v1 =	vadd.f32 v11, v1  }
0x193: {  	v3 =	vld.idx.msk [tilespmem:v34+s6+$0x0], $0xffff  }
0x194: {  	v4 =	vld.idx.msk [tilespmem:v35+s6+$0x0], $0xffff;
	v0 =	vadd.f32 v37, v0;
	v1 =	vadd.f32 v38, v1  }
0x195: {  	v5 =	vld.idx.msk [tilespmem:v36+s6+$0x0], $0xffff  }
0x196: {  	v0 =	vadd.f32 v39, v0;
	v1 =	vadd.f32 v40, v1;
	_ =	sdelay $0x1  }
0x197: {  	v0 =	vadd.f32 v2, v0;
	v1 =	vadd.f32 v3, v1;
	_ =	sdelay $0x1  }
0x198: {  	v0 =	vadd.f32 v4, v0;
	v1 =	vadd.f32 v5, v1;
	_ =	sdelay $0x1  }
0x199: {  	s10 =	sadd.s32 $0x30, s9;
	v0 =	vadd.f32 v1, v0  }
0x19a: {  	s29 =	sadd.s32 s3, s12;
	s3 =	sand.u32 $0x70, s10  }
0x19b: {  	s16 =	sor.u32 s3, s16;
	[tilespmem:s29+$0x0] =	vst v0  }
0x19c: {  	v0 =	vld [tilespmem:s16+$0x0]  }
0x19d: {  	v41 =	vld [tilespmem:s16+$0x80]  }
0x19e: {  	s11 =	sadd.s32 $0x30, s20;
	v42 =	vld [tilespmem:s16+$0x100]  }
0x19f: {  	s29 =	sor.u32 $0x200, s11;
	v43 =	vld [tilespmem:s16+$0x180]  }
0x1a0: {  	s20 =	sor.u32 $0x280, s11;
	v44 =	vld [tilespmem:s29+$0x1B700]  }
0x1a1: {  	s10 =	sor.u32 s10, s15;
	s11 =	sor.u32 $0x300, s11;
	v45 =	vld [tilespmem:s20+$0x1B700]  }
0x1a2: {  	s10 =	sor.u32 $0x380, s10;
	v46 =	vld [tilespmem:s11+$0x1B700]  }
0x1a3: {  	s5 =	sor.u32 s3, s5;
	v47 =	vld [tilespmem:s10+$0x1B700]  }
0x1a4: {  	s1 =	sor.u32 s3, s1;
	v51 =	vld [tilespmem:s5+$0x0]  }
0x1a5: {  	s25 =	sor.u32 s3, s25;
	v53 =	vld [tilespmem:s1+$0x0]  }
0x1a6: {  	s26 =	sor.u32 s3, s26;
	v57 =	vld [tilespmem:s25+$0x0]  }
0x1a7: {  	s29 =	sor.u32 s3, s17;
	v58 =	vld [tilespmem:s26+$0x0]  }
0x1a8: {  	s11 =	sor.u32 s3, s18;
	v48 =	vld [tilespmem:s29+$0x0]  }
0x1a9: {  	s16 =	sor.u32 s3, s23;
	v49 =	vld [tilespmem:s11+$0x0]  }
0x1aa: {  	s17 =	sor.u32 s3, s7;
	v50 =	vld [tilespmem:s16+$0x0]  }
0x1ab: {  	s18 =	sor.u32 s3, s13;
	v52 =	vld [tilespmem:s17+$0x0]  }
0x1ac: {  	s20 =	sor.u32 s3, s14;
	v54 =	vld [tilespmem:s18+$0x0]  }
0x1ad: {  	s23 =	sor.u32 s3, s28;
	v55 =	vld [tilespmem:s20+$0x0]  }
0x1ae: {  	s28 =	sor.u32 s3, s19;
	v56 =	vld [tilespmem:s23+$0x0]  }
0x1af: {  	v59 =	vld [tilespmem:s28+$0x0]  }
0x1b0: {  	v0 =	vld.idx.msk [tilespmem:v0+s6+$0x0], $0xffff  }
0x1b1: {  	v1 =	vld.idx.msk [tilespmem:v41+s6+$0x0], $0xffff  }
0x1b2: {  	v2 =	vld.idx.msk [tilespmem:v42+s6+$0x0], $0xffff  }
0x1b3: {  	v3 =	vld.idx.msk [tilespmem:v43+s6+$0x0], $0xffff  }
0x1b4: {  	v4 =	vld.idx.msk [tilespmem:v44+s6+$0x0], $0xffff  }
0x1b5: {  	v5 =	vld.idx.msk [tilespmem:v45+s6+$0x0], $0xffff  }
0x1b6: {  	v6 =	vld.idx.msk [tilespmem:v46+s6+$0x0], $0xffff  }
0x1b7: {  	v7 =	vld.idx.msk [tilespmem:v47+s6+$0x0], $0xffff  }
0x1b8: {  	v8 =	vld.idx.msk [tilespmem:v48+s6+$0x0], $0xffff;
	v0 =	vadd.f32 v2, v0;
	v1 =	vadd.f32 v3, v1  }
0x1b9: {  	v9 =	vld.idx.msk [tilespmem:v49+s6+$0x0], $0xffff  }
0x1ba: {  	v11 =	vld.idx.msk [tilespmem:v51+s6+$0x0], $0xffff;
	v0 =	vadd.f32 v4, v0;
	v1 =	vadd.f32 v5, v1  }
0x1bb: {  	v10 =	vld.idx.msk [tilespmem:v50+s6+$0x0], $0xffff  }
0x1bc: {  	v61 =	vld.idx.msk [tilespmem:v53+s6+$0x0], $0xffff;
	v0 =	vadd.f32 v6, v0;
	v1 =	vadd.f32 v7, v1  }
0x1bd: {  	v60 =	vld.idx.msk [tilespmem:v52+s6+$0x0], $0xffff  }
0x1be: {  	v62 =	vld.idx.msk [tilespmem:v54+s6+$0x0], $0xffff;
	v0 =	vadd.f32 v8, v0;
	v1 =	vadd.f32 v9, v1  }
0x1bf: {  	v63 =	vld.idx.msk [tilespmem:v55+s6+$0x0], $0xffff  }
0x1c0: {  	v2 =	vld.idx.msk [tilespmem:v56+s6+$0x0], $0xffff;
	v0 =	vadd.f32 v10, v0;
	v1 =	vadd.f32 v11, v1  }
0x1c1: {  	v3 =	vld.idx.msk [tilespmem:v57+s6+$0x0], $0xffff  }
0x1c2: {  	v4 =	vld.idx.msk [tilespmem:v58+s6+$0x0], $0xffff;
	v0 =	vadd.f32 v60, v0;
	v1 =	vadd.f32 v61, v1  }
0x1c3: {  	v5 =	vld.idx.msk [tilespmem:v59+s6+$0x0], $0xffff  }
0x1c4: {  	v0 =	vadd.f32 v62, v0;
	v1 =	vadd.f32 v63, v1;
	_ =	sdelay $0x1  }
0x1c5: {  	s8 =	sadd.s32 $0x4, s8;
	v0 =	vadd.f32 v2, v0;
	v1 =	vadd.f32 v3, v1  }
0x1c6: {  	p1 =	slt.u32 s8, $0x1C  }
.Ltmp1:
0x1c7: {  	v0 =	vadd.f32 v4, v0;
	v1 =	vadd.f32 v5, v1;
	(pc) =	sbr.rel @p1 .LBB2_6-.Ltmp1, $4  }
0x1c8: {  	_ = 	snop  }
0x1c9: {  	v0 =	vadd.f32 v1, v0  }
0x1ca: {  	p0 =	por !p0, !p0;
	s4 =	sadd.s32 $0x4, s4;
	s29 =	sadd.s32 s3, s12  }
0x1cb: {  	s24 =	sadd.s32 $0x2, s24;
	s9 =	sadd.s32 $0x40, s9;
	s15 =	sadd.s32 $0x200, s15;
	[tilespmem:s29+$0x0] =	vst v0  }
0x1cc: {  	s0 =	sadd.s32 $0x1, s0  }
0x1cd: {  	p0 =	sne.s32 s0, $0x4  }
.Ltmp2:
0x1ce: {  	_ = 	snop;
	(pc) =	sbr.rel @p0 .LBB2_3-.Ltmp2, $1  }
0x1cf: {  	_ =	sdelay $0x3  }
0x1d0: {  	s9 =	rddreg [dreg:$0xc]  }
0x1d1: {  	s9 =	sadd.s32 $0x1, s9  }
0x1d2: {  	s0 =	rddreg [dreg:$0xd];
	p0 =	sne.s32 s9, $0x1A  }
.Ltmp3:
0x1d3: {  	s1 =	rddreg [dreg:$0xe];
	s0 =	sshll.u32 s0, $0xF;
	(pc) =	sbr.rel @p0 .LBB2_2-.Ltmp3, $4  }
0x1d4: {  	s0 =	sor.u32 s1, s0  }
0x1d5: {  	s29 =	rddreg [dreg:$0x3];
	s5 =	simm.s32 $0x80;
	s0 =	sshrl.u32 s0, $0x3  }
0x1d6: {  	s7 =	simm.s32 $0x400;
	s31 =	simm.s32 $0x1E700;
	s0 =	sadd.s32 s29, s0  }
0x1d7: {  	[hbm4b:s0+s5] =	stream.strided.scatter [tilespmem:s31], [sflag:$0x4], $0x1000, s7, s5, $0x38;
	[tilespmem:$0x1F700] =	vst v63  }
0x1d8: {  	_ =	swait.ge [sflag:s21], $0x3000  }
0x1d9: {  	[sflag:s21] =	ssyncset.done $0x0  }
0x1da: {  	s1 =	simm.s32 $0x4;
	[sflag:s21] =	ssyncadd.s32 $0xFFFFD000  }
0x1db: {  	_ =	swait.ge [sflag:s1], $0x1000  }
0x1dc: {  	s2 =	rddreg [dreg:$0xb]  }
0x1dd: {  	s0 =	rddreg [dreg:$0xa];
	s2 =	sadd.s32 $0x1, s2  }
0x1de: {  	p0 =	sne.s32 s2, s0  }
.Ltmp4:
0x1df: {  	_ = 	snop;
	(pc) =	sbr.rel @p0 .LBB2_1-.Ltmp4, $3  }
0x1e0: {  	_ =	sdelay $0x1  }
0x1e1: {  	[sflag:s1] =	ssyncset.done $0x0  }
0x1e2: {  	[sflag:s1] =	ssyncadd.s32 $0xFFFFF000  }
0x1e3: {  	_ =	sfence.sel $0x180000  }
0x1e4: {  	[bflag:$0x0] =	sbarrier.arrive $0xFFFF  }
0x1e5: {  	_ =	strace $0x90000047  }
0x1e6: {  	s0 =	stileid.u32;
	[bflag:$0x2] =	sbarrier.arrive $0xFFFF  }
0x1e7: {  	p0 =	sne.s32 s0, $0x0;
	s0 =	rddreg [dreg:$0x4]  }
0x1e8: {  	s0 =	sadd.s32 @!p0 $0x100000, s0  }
0x1e9: {  	[sflag:s0] =	ssyncadd.tile.s32 @!p0 $0x1;
	_ =	shalt  }
.Lfunc_end2:
_tile_overlayer_lowered:
.L_overlay_start_2:
0x1ea: {  	(tag) =	ssettag $0x2  }
0x1eb: {  	s0 =	rddreg [dreg:$0x0];
	s2 =	stileid.u32  }
0x1ec: {  	s1 =	rddreg [dreg:$0x1];
	p0 =	sne.s32 s2, $0x0  }
0x1ed: {  	s3 =	rddreg [dreg:$0x2];
	[bflag:$0x3] =	sbarrier.arrive $0xFFFF;
	s2 =	simm.s32 @!p0 $0x1C05  }
0x1ee: {  	[timem:s3], [sflag:s2] =	dma.local @!p0 [hbm:s0], s1  }
0x1ef: {  	s0 =	simm.s32 @!p0 $0x5  }
0x1f0: {  	_ =	swait.ge @!p0 [sflag:s0], s1  }
0x1f1: {  	s1 =	ssub.s32 @!p0 $0x0, s1;
	[sflag:s0] =	ssyncset.done @!p0 $0x0  }
0x1f2: {  	[sflag:s0] =	ssyncadd.s32 @!p0 s1  }
0x1f3: {  	[bflag:$0x3] =	sbarrier.arrive $0xFFFF  }
0x1f4: {  	_ =	shalt  }

</sc_bundles>
